<compile_context>
chip_gen: v7x
topology: tpu7x:2x2x1
jax: 0.10.2.dev20260603
libtpu: 0.0.44.dev20260713+nightly
codegen_flags: <defaults>
</compile_context>

<pallas_src>
import functools

import jax
import jax.numpy as jnp
from jax import lax
from jax.experimental import pallas as pl
from jax.experimental.pallas import tpu as pltpu
from jax.experimental.pallas import tpu_sc as plsc

IN_F = 4096
OUT_F = 4096
NNZ = 167772
BATCH = 1024
NEG_SLOPE = 0.01

NUM_CORES = 2
NUM_SUBCORES = 16

BAND_ROWS = 256
NUM_BANDS = OUT_F // BAND_ROWS
BANDS_PER_CORE = NUM_BANDS // NUM_CORES
BAND_ELEMS = BAND_ROWS * IN_F
BAND_SHIFT = 20
BAND_MASK = BAND_ELEMS - 1
ZONE = BAND_ELEMS // NUM_SUBCORES
ZROWS = BAND_ROWS // NUM_SUBCORES

CHUNK = 128
SLICE = 10496
NNZ_PAD = SLICE * NUM_SUBCORES
NCHUNKS = SLICE // CHUNK
DEPTH = 8

ZBUF = 8192
NZDMA = ZONE // ZBUF

_MESH = plsc.VectorSubcoreMesh(core_axis_name="c", subcore_axis_name="s")


def _sc_body(co_hbm, ci_hbm, wv_hbm, w_hbm,
             g_v, wv_v, idx_c, val_c, zbuf, shared, sem):
    c = lax.axis_index("c")
    s = lax.axis_index("s")
    base = s * SLICE
    pltpu.sync_copy(ci_hbm.at[pl.ds(base, SLICE)], g_v)
    pltpu.sync_copy(wv_hbm.at[pl.ds(base, SLICE)], wv_v)

    def ld(t, carry):
        pltpu.async_copy(co_hbm.at[pl.ds(base + t * CHUNK, CHUNK)],
                         idx_c.at[t], sem)
        return carry
    lax.fori_loop(0, NCHUNKS, ld, 0)

    def ld_drain(t, carry):
        pltpu.make_async_copy(co_hbm.at[pl.ds(base, CHUNK)],
                              idx_c.at[0], sem).wait()
        return carry
    lax.fori_loop(0, NCHUNKS, ld_drain, 0)

    def pre(j, carry):
        o = idx_c[j // 8, pl.ds((j % 8) * 16, 16)]
        i = g_v[pl.ds(j * 16, 16)]
        g_v[pl.ds(j * 16, 16)] = o * IN_F + i
        return carry
    lax.fori_loop(0, SLICE // 16, pre, 0)

    zeros16 = jnp.zeros((16,), jnp.float32)

    def zf(j, carry):
        zbuf[pl.ds(j * 16, 16)] = zeros16
        return carry
    lax.fori_loop(0, ZBUF // 16, zf, 0)

    pad_idx = lax.iota(jnp.int32, 16) * 16 + s * 256
    zone_base = s * ZONE

    def band_step(p, carry):
        band = c * BANDS_PER_CORE + p
        for k in range(NZDMA):
            pltpu.async_copy(
                zbuf, shared.at[pl.ds(zone_base + k * ZBUF, ZBUF)], sem)

        def sel(t, carry2):
            for u in range(CHUNK // 16):
                j = t * CHUNK + u * 16
                g = g_v[pl.ds(j, 16)]
                v = wv_v[pl.ds(j, 16)]
                m = (g >> BAND_SHIFT) == band
                idx_c[t, pl.ds(u * 16, 16)] = jnp.where(m, g & BAND_MASK,
                                                        pad_idx)
                val_c[t, pl.ds(u * 16, 16)] = jnp.where(m, v, 0.0)
            return carry2
        lax.fori_loop(0, NCHUNKS, sel, 0)

        for k in range(NZDMA):
            pltpu.make_async_copy(
                zbuf, shared.at[pl.ds(zone_base + k * ZBUF, ZBUF)], sem
            ).wait()
        plsc.subcore_barrier()

        def fire(t, carry2):
            pltpu.async_copy(val_c.at[t], shared.at[idx_c.at[t]], sem,
                             add=True)

            @pl.when(t >= DEPTH)
            def _():
                pltpu.make_async_copy(
                    val_c.at[0], shared.at[idx_c.at[0]], sem).wait()
            return carry2
        lax.fori_loop(0, NCHUNKS, fire, 0)

        def drain(t, carry2):
            pltpu.make_async_copy(
                val_c.at[0], shared.at[idx_c.at[0]], sem).wait()
            return carry2
        lax.fori_loop(0, DEPTH, drain, 0)
        plsc.subcore_barrier()

        row0 = band * BAND_ROWS + s * ZROWS

        def crow(r, carry2):
            pltpu.async_copy(
                shared.at[pl.ds(zone_base + r * IN_F, IN_F)],
                w_hbm.at[row0 + r], sem)
            return carry2
        lax.fori_loop(0, ZROWS, crow, 0)

        def crow_drain(r, carry2):
            pltpu.make_async_copy(
                shared.at[pl.ds(zone_base, IN_F)], w_hbm.at[0], sem).wait()
            return carry2
        lax.fori_loop(0, ZROWS, crow_drain, 0)
        return carry
    lax.fori_loop(0, BANDS_PER_CORE, band_step, 0)


def _build_w(co, ci, wv):
    return pl.kernel(
        _sc_body,
        out_type=jax.ShapeDtypeStruct((OUT_F, IN_F), jnp.float32),
        mesh=_MESH,
        scratch_types=[
            pltpu.VMEM((SLICE,), jnp.int32),
            pltpu.VMEM((SLICE,), jnp.float32),
            pltpu.VMEM((NCHUNKS, CHUNK), jnp.int32),
            pltpu.VMEM((NCHUNKS, CHUNK), jnp.float32),
            pltpu.VMEM((ZBUF,), jnp.float32),
            pltpu.VMEM_SHARED((BAND_ELEMS,), jnp.float32),
            pltpu.SemaphoreType.DMA,
        ],
    )(co, ci, wv)


BN = 512
N_BLK = OUT_F // BN


def _mm_body(x_ref, w_ref, b_ref, o_ref):
    x = x_ref[...].astype(jnp.bfloat16)
    w = w_ref[...].astype(jnp.bfloat16)
    y = lax.dot_general(x, w, (((1,), (1,)), ((), ())),
                        preferred_element_type=jnp.float32)
    y = y + b_ref[0]
    o_ref[...] = jnp.where(y >= 0, y, jnp.float32(NEG_SLOPE) * y)


def _matmul(x, w, b3):
    return pl.pallas_call(
        _mm_body,
        grid=(N_BLK,),
        in_specs=[
            pl.BlockSpec((BATCH, IN_F), lambda n: (0, 0)),
            pl.BlockSpec((BN, IN_F), lambda n: (n, 0)),
            pl.BlockSpec((1, 1, BN), lambda n: (n, 0, 0)),
        ],
        out_specs=pl.BlockSpec((BATCH, BN), lambda n: (0, n)),
        out_shape=jax.ShapeDtypeStruct((BATCH, OUT_F), jnp.float32),
    )(x, w, b3)


def kernel(features, weight_values, bias, conn_out, conn_in):
    pad = NNZ_PAD - NNZ
    co = jnp.pad(conn_out, (0, pad))
    ci = jnp.pad(conn_in, (0, pad))
    wv = jnp.pad(weight_values, (0, pad))
    w = _build_w(co, ci, wv)
    return _matmul(features, w, bias.reshape(N_BLK, 1, BN))

# --- scband reference (transcript-rebuilt; emitter-appended) ---
"""Pipeline reference for scband-aeencoder-10926396801078 (READ-ONLY COPY).

The authoritative reference and input builder live on the scoring server;
editing this copy changes nothing except your own understanding.
"""

import jax, jax.numpy as jnp
import numpy as np

IN_F = 4096
OUT_F = 4096
NNZ = 167772
BATCH = 1024
NEG_SLOPE = 0.01  # nn.LeakyReLU default


def setup_inputs(seed: int = 0) -> dict:
    key = jax.random.key(seed)
    k1, k2, k3, k4, k5 = jax.random.split(key, 5)
    features = jax.random.normal(k1, (BATCH, IN_F), dtype=jnp.float32)
    # SparseLinear learned values; scale roughly like kaiming for avg fan-in = IN_F * density
    weight_values = jax.random.normal(k2, (NNZ,), dtype=jnp.float32) * (1.0 / np.sqrt(IN_F * 0.01))
    bias = jax.random.normal(k3, (OUT_F,), dtype=jnp.float32) * 0.01
    conn_out = jax.random.randint(k4, (NNZ,), 0, OUT_F, dtype=jnp.int32)
    conn_in = jax.random.randint(k5, (NNZ,), 0, IN_F, dtype=jnp.int32)
    return {
        'features': features,
        'weight_values': weight_values,
        'bias': bias,
        'conn_out': conn_out,
        'conn_in': conn_in,
    }


def reference(features, weight_values, bias, conn_out, conn_in):
    # sl.SparseLinear(in, out, connectivity=[2, nnz]):
    #   row 0 of connectivity -> output indices, row 1 -> input indices.
    # Materialize the sparse weight by scatter-add (duplicates sum, matching COO semantics),
    # then y = x @ W^T + b, followed by LeakyReLU (encoder_activ1).
    # dropout_rate=0 and batch_norm=False, so those layers are absent from the Sequential.
    W = jnp.zeros((OUT_F, IN_F), dtype=jnp.float32).at[conn_out, conn_in].add(weight_values)
    y = features @ W.T + bias
    out = jnp.where(y >= 0, y, NEG_SLOPE * y)
    return out

if __name__ == "__main__":
    import jax
    _d = setup_inputs()
    print(jax.jit(kernel)(*tuple(_d.values())))

</pallas_src>

<mosaic_0001>
#map = affine_map<(d0, d1) -> (0)>
#map1 = affine_map<(d0, d1) -> (0, 0)>
module attributes {stable_mosaic.version = 14 : i64} {
  func.func @_sc_body(%arg0: i32, %arg1: i32, %arg2: memref<167936xi32, #tpu.memory_space<hbm>>, %arg3: memref<167936xi32, #tpu.memory_space<hbm>>, %arg4: memref<167936xf32, #tpu.memory_space<hbm>>, %arg5: memref<4096x4096xf32, #tpu.memory_space<hbm>>, %arg6: memref<10496xi32, #tpu.memory_space<vmem>>, %arg7: memref<10496xf32, #tpu.memory_space<vmem>>, %arg8: memref<82x128xi32, #tpu.memory_space<vmem>>, %arg9: memref<82x128xf32, #tpu.memory_space<vmem>>, %arg10: memref<8192xf32, #tpu.memory_space<vmem>>, %arg11: memref<1048576xf32, #tpu.memory_space<vmem_shared>>, %arg12: memref<!tpu.dma_semaphore, #tpu.memory_space<semaphore_mem>>) attributes {dimension_semantics = [#tpu.dimension_semantics<core_parallel>, #tpu.dimension_semantics<subcore_parallel>], iteration_bounds = array<i64: 2, 16>, scalar_prefetch = 0 : i64, scratch_operands = 7 : i64, tpu.core_type = #tpu.core_type<sc_vector_subcore>, window_params = [{transform_indices = #map}, {transform_indices = #map}, {transform_indices = #map}, {transform_indices = #map1}]} {
    %mul3A = arith.constant 10496 : i32
    %mul3A_0 = arith.muli %arg1, %mul3A : i32
    "tpu.region"() ({
      %run_scoped3A = tpu.sem_alloc : memref<!tpu.dma_semaphore, #tpu.memory_space<semaphore_mem>>
      %dma_start3A = tpu.memref_slice %arg3[%mul3A_0] : memref<167936xi32, #tpu.memory_space<hbm>> -> memref<10496xi32, #tpu.memory_space<hbm>>
      %dma_start3A_39 = tpu.memref_slice %arg3[%mul3A_0] : memref<167936xi32, #tpu.memory_space<hbm>> -> memref<10496xi32, #tpu.memory_space<hbm>>
      tpu.enqueue_dma source(%dma_start3A_39 : memref<10496xi32, #tpu.memory_space<hbm>>) target(%arg6 : memref<10496xi32, #tpu.memory_space<vmem>>) target_semaphore(%run_scoped3A : memref<!tpu.dma_semaphore, #tpu.memory_space<semaphore_mem>>)
      %dma_wait3A = tpu.memref_slice %arg3[%mul3A_0] : memref<167936xi32, #tpu.memory_space<hbm>> -> memref<10496xi32, #tpu.memory_space<hbm>>
      %dma_wait3A_40 = tpu.memref_slice %arg3[%mul3A_0] : memref<167936xi32, #tpu.memory_space<hbm>> -> memref<10496xi32, #tpu.memory_space<hbm>>
      tpu.wait_dma2 semaphore(%run_scoped3A : memref<!tpu.dma_semaphore, #tpu.memory_space<semaphore_mem>>) src(%dma_wait3A_40 : memref<10496xi32, #tpu.memory_space<hbm>>) dst(%arg6 : memref<10496xi32, #tpu.memory_space<vmem>>)
      tpu.yield
    }) : () -> ()
    "tpu.region"() ({
      %run_scoped3A = tpu.sem_alloc : memref<!tpu.dma_semaphore, #tpu.memory_space<semaphore_mem>>
      %dma_start3A = tpu.memref_slice %arg4[%mul3A_0] : memref<167936xf32, #tpu.memory_space<hbm>> -> memref<10496xf32, #tpu.memory_space<hbm>>
      %dma_start3A_39 = tpu.memref_slice %arg4[%mul3A_0] : memref<167936xf32, #tpu.memory_space<hbm>> -> memref<10496xf32, #tpu.memory_space<hbm>>
      tpu.enqueue_dma source(%dma_start3A_39 : memref<10496xf32, #tpu.memory_space<hbm>>) target(%arg7 : memref<10496xf32, #tpu.memory_space<vmem>>) target_semaphore(%run_scoped3A : memref<!tpu.dma_semaphore, #tpu.memory_space<semaphore_mem>>)
      %dma_wait3A = tpu.memref_slice %arg4[%mul3A_0] : memref<167936xf32, #tpu.memory_space<hbm>> -> memref<10496xf32, #tpu.memory_space<hbm>>
      %dma_wait3A_40 = tpu.memref_slice %arg4[%mul3A_0] : memref<167936xf32, #tpu.memory_space<hbm>> -> memref<10496xf32, #tpu.memory_space<hbm>>
      tpu.wait_dma2 semaphore(%run_scoped3A : memref<!tpu.dma_semaphore, #tpu.memory_space<semaphore_mem>>) src(%dma_wait3A_40 : memref<10496xf32, #tpu.memory_space<hbm>>) dst(%arg7 : memref<10496xf32, #tpu.memory_space<vmem>>)
      tpu.yield
    }) : () -> ()
    %scan3A = arith.constant 0 : i32
    %scan3A_1 = arith.constant 0 : i32
    %scan3A_2 = arith.constant 82 : i32
    %scan3A_3 = arith.addi %scan3A_1, %scan3A_2 : i32
    %scan3A_4 = arith.constant 1 : i32
    scf.for %scan3A_39 = %scan3A_1 to %scan3A_3 step %scan3A_4  : i32 {
      %mul3A_40 = arith.constant 128 : i32
      %mul3A_41 = arith.muli %scan3A_39, %mul3A_40 : i32
      %add3A_42 = arith.addi %mul3A_0, %mul3A_41 : i32
      %dma_start3A = arith.constant 0 : i32
      %dma_start3A_43 = tpu.memref_slice %arg8[%scan3A_39, %dma_start3A] : memref<82x128xi32, #tpu.memory_space<vmem>> -> memref<1x128xi32, #tpu.memory_space<vmem>>
      %dma_start3A_44 = tpu.memref_squeeze %dma_start3A_43 : memref<1x128xi32, #tpu.memory_space<vmem>> -> memref<128xi32, #tpu.memory_space<vmem>>
      %dma_start3A_45 = tpu.memref_slice %arg2[%add3A_42] : memref<167936xi32, #tpu.memory_space<hbm>> -> memref<128xi32, #tpu.memory_space<hbm>>
      %dma_start3A_46 = arith.constant 0 : i32
      %dma_start3A_47 = tpu.memref_slice %arg8[%scan3A_39, %dma_start3A_46] : memref<82x128xi32, #tpu.memory_space<vmem>> -> memref<1x128xi32, #tpu.memory_space<vmem>>
      %dma_start3A_48 = tpu.memref_squeeze %dma_start3A_47 : memref<1x128xi32, #tpu.memory_space<vmem>> -> memref<128xi32, #tpu.memory_space<vmem>>
      %dma_start3A_49 = tpu.memref_slice %arg2[%add3A_42] : memref<167936xi32, #tpu.memory_space<hbm>> -> memref<128xi32, #tpu.memory_space<hbm>>
      tpu.enqueue_dma source(%dma_start3A_49 : memref<128xi32, #tpu.memory_space<hbm>>) target(%dma_start3A_48 : memref<128xi32, #tpu.memory_space<vmem>>) target_semaphore(%arg12 : memref<!tpu.dma_semaphore, #tpu.memory_space<semaphore_mem>>)
    }
    %scan3A_5 = arith.constant 82 : i32
    %scan3A_6 = arith.constant 0 : i32
    %scan3A_7 = arith.constant 0 : i32
    %scan3A_8 = arith.constant 82 : i32
    %scan3A_9 = arith.addi %scan3A_7, %scan3A_8 : i32
    %scan3A_10 = arith.constant 1 : i32
    scf.for %scan3A_39 = %scan3A_7 to %scan3A_9 step %scan3A_10  : i32 {
      %dma_wait3A = arith.constant 0 : i32
      %dma_wait3A_40 = arith.constant 0 : i32
      %dma_wait3A_41 = tpu.memref_slice %arg8[%dma_wait3A, %dma_wait3A_40] : memref<82x128xi32, #tpu.memory_space<vmem>> -> memref<1x128xi32, #tpu.memory_space<vmem>>
      %dma_wait3A_42 = tpu.memref_squeeze %dma_wait3A_41 : memref<1x128xi32, #tpu.memory_space<vmem>> -> memref<128xi32, #tpu.memory_space<vmem>>
      %dma_wait3A_43 = tpu.memref_slice %arg2[%mul3A_0] : memref<167936xi32, #tpu.memory_space<hbm>> -> memref<128xi32, #tpu.memory_space<hbm>>
      %dma_wait3A_44 = arith.constant 0 : i32
      %dma_wait3A_45 = tpu.memref_slice %arg8[%dma_wait3A, %dma_wait3A_44] : memref<82x128xi32, #tpu.memory_space<vmem>> -> memref<1x128xi32, #tpu.memory_space<vmem>>
      %dma_wait3A_46 = tpu.memref_squeeze %dma_wait3A_45 : memref<1x128xi32, #tpu.memory_space<vmem>> -> memref<128xi32, #tpu.memory_space<vmem>>
      %dma_wait3A_47 = tpu.memref_slice %arg2[%mul3A_0] : memref<167936xi32, #tpu.memory_space<hbm>> -> memref<128xi32, #tpu.memory_space<hbm>>
      tpu.wait_dma2 semaphore(%arg12 : memref<!tpu.dma_semaphore, #tpu.memory_space<semaphore_mem>>) src(%dma_wait3A_47 : memref<128xi32, #tpu.memory_space<hbm>>) dst(%dma_wait3A_46 : memref<128xi32, #tpu.memory_space<vmem>>)
    }
    %scan3A_11 = arith.constant 82 : i32
    %scan3A_12 = arith.constant 0 : i32
    %scan3A_13 = arith.constant 0 : i32
    %scan3A_14 = arith.constant 656 : i32
    %scan3A_15 = arith.addi %scan3A_13, %scan3A_14 : i32
    %scan3A_16 = arith.constant 1 : i32
    scf.for %scan3A_39 = %scan3A_13 to %scan3A_15 step %scan3A_16  : i32 {
      %jit3A = arith.constant 8 : i32
      %div3A = arith.divsi %scan3A_39, %jit3A : i32
      %sign3A = arith.constant 0 : i32
      %sign3A_40 = arith.cmpi sgt, %scan3A_39, %sign3A : i32
      %sign3A_41 = arith.extui %sign3A_40 : i1 to i32
      %sign3A_42 = arith.constant 0 : i32
      %sign3A_43 = arith.cmpi slt, %scan3A_39, %sign3A_42 : i32
      %sign3A_44 = arith.extui %sign3A_43 : i1 to i32
      %sign3A_45 = arith.subi %sign3A_41, %sign3A_44 : i32
      %sign3A_46 = arith.constant 0 : i32
      %sign3A_47 = arith.cmpi sgt, %jit3A, %sign3A_46 : i32
      %sign3A_48 = arith.extui %sign3A_47 : i1 to i32
      %sign3A_49 = arith.constant 0 : i32
      %sign3A_50 = arith.cmpi slt, %jit3A, %sign3A_49 : i32
      %sign3A_51 = arith.extui %sign3A_50 : i1 to i32
      %sign3A_52 = arith.subi %sign3A_48, %sign3A_51 : i32
      %ne3A = arith.cmpi ne, %sign3A_45, %sign3A_52 : i32
      %rem3A = arith.remsi %scan3A_39, %jit3A : i32
      %ne3A_53 = arith.constant 0 : i32
      %ne3A_54 = arith.cmpi ne, %rem3A, %ne3A_53 : i32
      %and3A = arith.andi %ne3A, %ne3A_54 : i1
      %sub3A = arith.constant 1 : i32
      %sub3A_55 = arith.subi %div3A, %sub3A : i32
      %select_n3A = arith.select %and3A, %sub3A_55, %div3A : i32
      %jit3A_56 = arith.constant 8 : i32
      %eq3A = arith.constant 0 : i32
      %eq3A_57 = arith.cmpi eq, %jit3A_56, %eq3A : i32
      %jit3A_58 = arith.constant 1 : i32
      %select_n3A_59 = arith.select %eq3A_57, %jit3A_58, %jit3A_56 : i32
      %rem3A_60 = arith.remsi %scan3A_39, %select_n3A_59 : i32
      %ne3A_61 = arith.constant 0 : i32
      %ne3A_62 = arith.cmpi ne, %rem3A_60, %ne3A_61 : i32
      %lt3A = arith.constant 0 : i32
      %lt3A_63 = arith.cmpi slt, %rem3A_60, %lt3A : i32
      %lt3A_64 = arith.constant 0 : i32
      %lt3A_65 = arith.cmpi slt, %select_n3A_59, %lt3A_64 : i32
      %ne3A_66 = arith.xori %lt3A_63, %lt3A_65 : i1
      %and3A_67 = arith.andi %ne3A_66, %ne3A_62 : i1
      %add3A_68 = arith.addi %rem3A_60, %select_n3A_59 : i32
      %select_n3A_69 = arith.select %and3A_67, %add3A_68, %rem3A_60 : i32
      %mul3A_70 = arith.constant 16 : i32
      %mul3A_71 = arith.muli %select_n3A_69, %mul3A_70 : i32
      %get3A = arith.index_cast %select_n3A : i32 to index
      %get3A_72 = arith.index_cast %mul3A_71 : i32 to index
      %get3A_73 = tpu.vector_load %arg8[%get3A, %get3A_72] {strides = array<i32>} : memref<82x128xi32, #tpu.memory_space<vmem>>, vector<1x16xi32>,
      %get3A_74 = vector.shape_cast %get3A_73 : vector<1x16xi32> to vector<16xi32>
      %mul3A_75 = arith.constant 16 : i32
      %mul3A_76 = arith.muli %scan3A_39, %mul3A_75 : i32
      %get3A_77 = arith.index_cast %mul3A_76 : i32 to index
      %get3A_78 = tpu.vector_load %arg6[%get3A_77] {strides = array<i32>} : memref<10496xi32, #tpu.memory_space<vmem>>, vector<16xi32>,
      %get3A_79 = vector.shape_cast %get3A_78 : vector<16xi32> to vector<16xi32>
      %mul3A_80 = arith.constant 4096 : i32
      %mul3A_81 = vector.broadcast %mul3A_80 : i32 to vector<16xi32>
      %mul3A_82 = arith.muli %get3A_74, %mul3A_81 : vector<16xi32>
      %add3A_83 = arith.addi %mul3A_82, %get3A_79 : vector<16xi32>
      %mul3A_84 = arith.constant 16 : i32
      %mul3A_85 = arith.muli %scan3A_39, %mul3A_84 : i32
      %swap3A = arith.index_cast %mul3A_85 : i32 to index
      %swap3A_86 = tpu.vector_load %arg6[%swap3A] {strides = array<i32>} : memref<10496xi32, #tpu.memory_space<vmem>>, vector<16xi32>,
      %swap3A_87 = vector.shape_cast %swap3A_86 : vector<16xi32> to vector<16xi32>
      %swap3A_88 = vector.shape_cast %add3A_83 : vector<16xi32> to vector<16xi32>
      tpu.vector_store %arg6[%swap3A], %swap3A_88 {strides = array<i32>} : memref<10496xi32, #tpu.memory_space<vmem>>, vector<16xi32>,
    }
    %scan3A_17 = arith.constant 656 : i32
    %broadcast_in_dim3A = arith.constant 0.000000e+00 : f32
    %broadcast_in_dim3A_18 = vector.broadcast %broadcast_in_dim3A : f32 to vector<16xf32>
    %scan3A_19 = arith.constant 0 : i32
    %scan3A_20 = arith.constant 0 : i32
    %scan3A_21 = arith.constant 512 : i32
    %scan3A_22 = arith.addi %scan3A_20, %scan3A_21 : i32
    %scan3A_23 = arith.constant 1 : i32
    scf.for %scan3A_39 = %scan3A_20 to %scan3A_22 step %scan3A_23  : i32 {
      %mul3A_40 = arith.constant 16 : i32
      %mul3A_41 = arith.muli %scan3A_39, %mul3A_40 : i32
      %swap3A = arith.index_cast %mul3A_41 : i32 to index
      %swap3A_42 = tpu.vector_load %arg10[%swap3A] {strides = array<i32>} : memref<8192xf32, #tpu.memory_space<vmem>>, vector<16xf32>,
      %swap3A_43 = vector.shape_cast %swap3A_42 : vector<16xf32> to vector<16xf32>
      %swap3A_44 = vector.shape_cast %broadcast_in_dim3A_18 : vector<16xf32> to vector<16xf32>
      tpu.vector_store %arg10[%swap3A], %swap3A_44 {strides = array<i32>} : memref<8192xf32, #tpu.memory_space<vmem>>, vector<16xf32>,
    }
    %scan3A_24 = arith.constant 512 : i32
    %iota3A = tpu.iota {dimensions = array<i32: 0>} : vector<16xi32>
    %mul3A_25 = arith.constant 16 : i32
    %mul3A_26 = vector.broadcast %mul3A_25 : i32 to vector<16xi32>
    %mul3A_27 = arith.muli %iota3A, %mul3A_26 : vector<16xi32>
    %mul3A_28 = arith.constant 256 : i32
    %mul3A_29 = arith.muli %arg1, %mul3A_28 : i32
    %add3A = vector.broadcast %mul3A_29 : i32 to vector<16xi32>
    %add3A_30 = arith.addi %mul3A_27, %add3A : vector<16xi32>
    %mul3A_31 = arith.constant 65536 : i32
    %mul3A_32 = arith.muli %arg1, %mul3A_31 : i32
    %scan3A_33 = arith.constant 0 : i32
    %scan3A_34 = arith.constant 0 : i32
    %scan3A_35 = arith.constant 8 : i32
    %scan3A_36 = arith.addi %scan3A_34, %scan3A_35 : i32
    %scan3A_37 = arith.constant 1 : i32
    scf.for %scan3A_39 = %scan3A_34 to %scan3A_36 step %scan3A_37  : i32 {
      %mul3A_40 = arith.constant 8 : i32
      %mul3A_41 = arith.muli %arg0, %mul3A_40 : i32
      %add3A_42 = arith.addi %mul3A_41, %scan3A_39 : i32
      %add3A_43 = arith.constant 0 : i32
      %add3A_44 = arith.addi %mul3A_32, %add3A_43 : i32
      %dma_start3A = tpu.memref_slice %arg11[%add3A_44] : memref<1048576xf32, #tpu.memory_space<vmem_shared>> -> memref<8192xf32, #tpu.memory_space<vmem_shared>>
      %dma_start3A_45 = tpu.memref_slice %arg11[%add3A_44] : memref<1048576xf32, #tpu.memory_space<vmem_shared>> -> memref<8192xf32, #tpu.memory_space<vmem_shared>>
      tpu.enqueue_dma source(%arg10 : memref<8192xf32, #tpu.memory_space<vmem>>) target(%dma_start3A_45 : memref<8192xf32, #tpu.memory_space<vmem_shared>>) target_semaphore(%arg12 : memref<!tpu.dma_semaphore, #tpu.memory_space<semaphore_mem>>)
      %add3A_46 = arith.constant 8192 : i32
      %add3A_47 = arith.addi %mul3A_32, %add3A_46 : i32
      %dma_start3A_48 = tpu.memref_slice %arg11[%add3A_47] : memref<1048576xf32, #tpu.memory_space<vmem_shared>> -> memref<8192xf32, #tpu.memory_space<vmem_shared>>
      %dma_start3A_49 = tpu.memref_slice %arg11[%add3A_47] : memref<1048576xf32, #tpu.memory_space<vmem_shared>> -> memref<8192xf32, #tpu.memory_space<vmem_shared>>
      tpu.enqueue_dma source(%arg10 : memref<8192xf32, #tpu.memory_space<vmem>>) target(%dma_start3A_49 : memref<8192xf32, #tpu.memory_space<vmem_shared>>) target_semaphore(%arg12 : memref<!tpu.dma_semaphore, #tpu.memory_space<semaphore_mem>>)
      %add3A_50 = arith.constant 16384 : i32
      %add3A_51 = arith.addi %mul3A_32, %add3A_50 : i32
      %dma_start3A_52 = tpu.memref_slice %arg11[%add3A_51] : memref<1048576xf32, #tpu.memory_space<vmem_shared>> -> memref<8192xf32, #tpu.memory_space<vmem_shared>>
      %dma_start3A_53 = tpu.memref_slice %arg11[%add3A_51] : memref<1048576xf32, #tpu.memory_space<vmem_shared>> -> memref<8192xf32, #tpu.memory_space<vmem_shared>>
      tpu.enqueue_dma source(%arg10 : memref<8192xf32, #tpu.memory_space<vmem>>) target(%dma_start3A_53 : memref<8192xf32, #tpu.memory_space<vmem_shared>>) target_semaphore(%arg12 : memref<!tpu.dma_semaphore, #tpu.memory_space<semaphore_mem>>)
      %add3A_54 = arith.constant 24576 : i32
      %add3A_55 = arith.addi %mul3A_32, %add3A_54 : i32
      %dma_start3A_56 = tpu.memref_slice %arg11[%add3A_55] : memref<1048576xf32, #tpu.memory_space<vmem_shared>> -> memref<8192xf32, #tpu.memory_space<vmem_shared>>
      %dma_start3A_57 = tpu.memref_slice %arg11[%add3A_55] : memref<1048576xf32, #tpu.memory_space<vmem_shared>> -> memref<8192xf32, #tpu.memory_space<vmem_shared>>
      tpu.enqueue_dma source(%arg10 : memref<8192xf32, #tpu.memory_space<vmem>>) target(%dma_start3A_57 : memref<8192xf32, #tpu.memory_space<vmem_shared>>) target_semaphore(%arg12 : memref<!tpu.dma_semaphore, #tpu.memory_space<semaphore_mem>>)
      %add3A_58 = arith.constant 32768 : i32
      %add3A_59 = arith.addi %mul3A_32, %add3A_58 : i32
      %dma_start3A_60 = tpu.memref_slice %arg11[%add3A_59] : memref<1048576xf32, #tpu.memory_space<vmem_shared>> -> memref<8192xf32, #tpu.memory_space<vmem_shared>>
      %dma_start3A_61 = tpu.memref_slice %arg11[%add3A_59] : memref<1048576xf32, #tpu.memory_space<vmem_shared>> -> memref<8192xf32, #tpu.memory_space<vmem_shared>>
      tpu.enqueue_dma source(%arg10 : memref<8192xf32, #tpu.memory_space<vmem>>) target(%dma_start3A_61 : memref<8192xf32, #tpu.memory_space<vmem_shared>>) target_semaphore(%arg12 : memref<!tpu.dma_semaphore, #tpu.memory_space<semaphore_mem>>)
      %add3A_62 = arith.constant 40960 : i32
      %add3A_63 = arith.addi %mul3A_32, %add3A_62 : i32
      %dma_start3A_64 = tpu.memref_slice %arg11[%add3A_63] : memref<1048576xf32, #tpu.memory_space<vmem_shared>> -> memref<8192xf32, #tpu.memory_space<vmem_shared>>
      %dma_start3A_65 = tpu.memref_slice %arg11[%add3A_63] : memref<1048576xf32, #tpu.memory_space<vmem_shared>> -> memref<8192xf32, #tpu.memory_space<vmem_shared>>
      tpu.enqueue_dma source(%arg10 : memref<8192xf32, #tpu.memory_space<vmem>>) target(%dma_start3A_65 : memref<8192xf32, #tpu.memory_space<vmem_shared>>) target_semaphore(%arg12 : memref<!tpu.dma_semaphore, #tpu.memory_space<semaphore_mem>>)
      %add3A_66 = arith.constant 49152 : i32
      %add3A_67 = arith.addi %mul3A_32, %add3A_66 : i32
      %dma_start3A_68 = tpu.memref_slice %arg11[%add3A_67] : memref<1048576xf32, #tpu.memory_space<vmem_shared>> -> memref<8192xf32, #tpu.memory_space<vmem_shared>>
      %dma_start3A_69 = tpu.memref_slice %arg11[%add3A_67] : memref<1048576xf32, #tpu.memory_space<vmem_shared>> -> memref<8192xf32, #tpu.memory_space<vmem_shared>>
      tpu.enqueue_dma source(%arg10 : memref<8192xf32, #tpu.memory_space<vmem>>) target(%dma_start3A_69 : memref<8192xf32, #tpu.memory_space<vmem_shared>>) target_semaphore(%arg12 : memref<!tpu.dma_semaphore, #tpu.memory_space<semaphore_mem>>)
      %add3A_70 = arith.constant 57344 : i32
      %add3A_71 = arith.addi %mul3A_32, %add3A_70 : i32
      %dma_start3A_72 = tpu.memref_slice %arg11[%add3A_71] : memref<1048576xf32, #tpu.memory_space<vmem_shared>> -> memref<8192xf32, #tpu.memory_space<vmem_shared>>
      %dma_start3A_73 = tpu.memref_slice %arg11[%add3A_71] : memref<1048576xf32, #tpu.memory_space<vmem_shared>> -> memref<8192xf32, #tpu.memory_space<vmem_shared>>
      tpu.enqueue_dma source(%arg10 : memref<8192xf32, #tpu.memory_space<vmem>>) target(%dma_start3A_73 : memref<8192xf32, #tpu.memory_space<vmem_shared>>) target_semaphore(%arg12 : memref<!tpu.dma_semaphore, #tpu.memory_space<semaphore_mem>>)
      %scan3A_74 = arith.constant 0 : i32
      %scan3A_75 = arith.constant 0 : i32
      %scan3A_76 = arith.constant 82 : i32
      %scan3A_77 = arith.addi %scan3A_75, %scan3A_76 : i32
      %scan3A_78 = arith.constant 1 : i32
      scf.for %scan3A_141 = %scan3A_75 to %scan3A_77 step %scan3A_78  : i32 {
        %mul3A_142 = arith.constant 128 : i32
        %mul3A_143 = arith.muli %scan3A_141, %mul3A_142 : i32
        %add3A_144 = arith.constant 0 : i32
        %add3A_145 = arith.addi %mul3A_143, %add3A_144 : i32
        %get3A = arith.index_cast %add3A_145 : i32 to index
        %get3A_146 = tpu.vector_load %arg6[%get3A] {strides = array<i32>} : memref<10496xi32, #tpu.memory_space<vmem>>, vector<16xi32>,
        %get3A_147 = vector.shape_cast %get3A_146 : vector<16xi32> to vector<16xi32>
        %get3A_148 = arith.index_cast %add3A_145 : i32 to index
        %get3A_149 = tpu.vector_load %arg7[%get3A_148] {strides = array<i32>} : memref<10496xf32, #tpu.memory_space<vmem>>, vector<16xf32>,
        %get3A_150 = vector.shape_cast %get3A_149 : vector<16xf32> to vector<16xf32>
        %shift_right_arithmetic3A = arith.constant 20 : i32
        %shift_right_arithmetic3A_151 = vector.broadcast %shift_right_arithmetic3A : i32 to vector<16xi32>
        %shift_right_arithmetic3A_152 = arith.shrsi %get3A_147, %shift_right_arithmetic3A_151 : vector<16xi32>
        %eq3A = vector.broadcast %add3A_42 : i32 to vector<16xi32>
        %eq3A_153 = arith.cmpi eq, %shift_right_arithmetic3A_152, %eq3A : vector<16xi32>
        %and3A = arith.constant 1048575 : i32
        %and3A_154 = vector.broadcast %and3A : i32 to vector<16xi32>
        %and3A_155 = arith.andi %get3A_147, %and3A_154 : vector<16xi32>
        %select_n3A = arith.select %eq3A_153, %and3A_155, %add3A_30 : vector<16xi1>, vector<16xi32>
        %swap3A = arith.index_cast %scan3A_141 : i32 to index
        %swap3A_156 = arith.constant 0 : index
        %swap3A_157 = tpu.vector_load %arg8[%swap3A, %swap3A_156] {strides = array<i32>} : memref<82x128xi32, #tpu.memory_space<vmem>>, vector<1x16xi32>,
        %swap3A_158 = vector.shape_cast %swap3A_157 : vector<1x16xi32> to vector<16xi32>
        %swap3A_159 = vector.shape_cast %select_n3A : vector<16xi32> to vector<1x16xi32>
        tpu.vector_store %arg8[%swap3A, %swap3A_156], %swap3A_159 {strides = array<i32>} : memref<82x128xi32, #tpu.memory_space<vmem>>, vector<1x16xi32>,
        %jit3A = arith.constant 0.000000e+00 : f32
        %broadcast_in_dim3A_160 = vector.broadcast %jit3A : f32 to vector<16xf32>
        %select_n3A_161 = arith.select %eq3A_153, %get3A_150, %broadcast_in_dim3A_160 : vector<16xi1>, vector<16xf32>
        %swap3A_162 = arith.index_cast %scan3A_141 : i32 to index
        %swap3A_163 = arith.constant 0 : index
        %swap3A_164 = tpu.vector_load %arg9[%swap3A_162, %swap3A_163] {strides = array<i32>} : memref<82x128xf32, #tpu.memory_space<vmem>>, vector<1x16xf32>,
        %swap3A_165 = vector.shape_cast %swap3A_164 : vector<1x16xf32> to vector<16xf32>
        %swap3A_166 = vector.shape_cast %select_n3A_161 : vector<16xf32> to vector<1x16xf32>
        tpu.vector_store %arg9[%swap3A_162, %swap3A_163], %swap3A_166 {strides = array<i32>} : memref<82x128xf32, #tpu.memory_space<vmem>>, vector<1x16xf32>,
        %mul3A_167 = arith.constant 128 : i32
        %mul3A_168 = arith.muli %scan3A_141, %mul3A_167 : i32
        %add3A_169 = arith.constant 16 : i32
        %add3A_170 = arith.addi %mul3A_168, %add3A_169 : i32
        %get3A_171 = arith.index_cast %add3A_170 : i32 to index
        %get3A_172 = tpu.vector_load %arg6[%get3A_171] {strides = array<i32>} : memref<10496xi32, #tpu.memory_space<vmem>>, vector<16xi32>,
        %get3A_173 = vector.shape_cast %get3A_172 : vector<16xi32> to vector<16xi32>
        %get3A_174 = arith.index_cast %add3A_170 : i32 to index
        %get3A_175 = tpu.vector_load %arg7[%get3A_174] {strides = array<i32>} : memref<10496xf32, #tpu.memory_space<vmem>>, vector<16xf32>,
        %get3A_176 = vector.shape_cast %get3A_175 : vector<16xf32> to vector<16xf32>
        %shift_right_arithmetic3A_177 = arith.constant 20 : i32
        %shift_right_arithmetic3A_178 = vector.broadcast %shift_right_arithmetic3A_177 : i32 to vector<16xi32>
        %shift_right_arithmetic3A_179 = arith.shrsi %get3A_173, %shift_right_arithmetic3A_178 : vector<16xi32>
        %eq3A_180 = vector.broadcast %add3A_42 : i32 to vector<16xi32>
        %eq3A_181 = arith.cmpi eq, %shift_right_arithmetic3A_179, %eq3A_180 : vector<16xi32>
        %and3A_182 = arith.constant 1048575 : i32
        %and3A_183 = vector.broadcast %and3A_182 : i32 to vector<16xi32>
        %and3A_184 = arith.andi %get3A_173, %and3A_183 : vector<16xi32>
        %select_n3A_185 = arith.select %eq3A_181, %and3A_184, %add3A_30 : vector<16xi1>, vector<16xi32>
        %swap3A_186 = arith.index_cast %scan3A_141 : i32 to index
        %swap3A_187 = arith.constant 16 : index
        %swap3A_188 = tpu.vector_load %arg8[%swap3A_186, %swap3A_187] {strides = array<i32>} : memref<82x128xi32, #tpu.memory_space<vmem>>, vector<1x16xi32>,
        %swap3A_189 = vector.shape_cast %swap3A_188 : vector<1x16xi32> to vector<16xi32>
        %swap3A_190 = vector.shape_cast %select_n3A_185 : vector<16xi32> to vector<1x16xi32>
        tpu.vector_store %arg8[%swap3A_186, %swap3A_187], %swap3A_190 {strides = array<i32>} : memref<82x128xi32, #tpu.memory_space<vmem>>, vector<1x16xi32>,
        %jit3A_191 = arith.constant 0.000000e+00 : f32
        %broadcast_in_dim3A_192 = vector.broadcast %jit3A_191 : f32 to vector<16xf32>
        %select_n3A_193 = arith.select %eq3A_181, %get3A_176, %broadcast_in_dim3A_192 : vector<16xi1>, vector<16xf32>
        %swap3A_194 = arith.index_cast %scan3A_141 : i32 to index
        %swap3A_195 = arith.constant 16 : index
        %swap3A_196 = tpu.vector_load %arg9[%swap3A_194, %swap3A_195] {strides = array<i32>} : memref<82x128xf32, #tpu.memory_space<vmem>>, vector<1x16xf32>,
        %swap3A_197 = vector.shape_cast %swap3A_196 : vector<1x16xf32> to vector<16xf32>
        %swap3A_198 = vector.shape_cast %select_n3A_193 : vector<16xf32> to vector<1x16xf32>
        tpu.vector_store %arg9[%swap3A_194, %swap3A_195], %swap3A_198 {strides = array<i32>} : memref<82x128xf32, #tpu.memory_space<vmem>>, vector<1x16xf32>,
        %mul3A_199 = arith.constant 128 : i32
        %mul3A_200 = arith.muli %scan3A_141, %mul3A_199 : i32
        %add3A_201 = arith.constant 32 : i32
        %add3A_202 = arith.addi %mul3A_200, %add3A_201 : i32
        %get3A_203 = arith.index_cast %add3A_202 : i32 to index
        %get3A_204 = tpu.vector_load %arg6[%get3A_203] {strides = array<i32>} : memref<10496xi32, #tpu.memory_space<vmem>>, vector<16xi32>,
        %get3A_205 = vector.shape_cast %get3A_204 : vector<16xi32> to vector<16xi32>
        %get3A_206 = arith.index_cast %add3A_202 : i32 to index
        %get3A_207 = tpu.vector_load %arg7[%get3A_206] {strides = array<i32>} : memref<10496xf32, #tpu.memory_space<vmem>>, vector<16xf32>,
        %get3A_208 = vector.shape_cast %get3A_207 : vector<16xf32> to vector<16xf32>
        %shift_right_arithmetic3A_209 = arith.constant 20 : i32
        %shift_right_arithmetic3A_210 = vector.broadcast %shift_right_arithmetic3A_209 : i32 to vector<16xi32>
        %shift_right_arithmetic3A_211 = arith.shrsi %get3A_205, %shift_right_arithmetic3A_210 : vector<16xi32>
        %eq3A_212 = vector.broadcast %add3A_42 : i32 to vector<16xi32>
        %eq3A_213 = arith.cmpi eq, %shift_right_arithmetic3A_211, %eq3A_212 : vector<16xi32>
        %and3A_214 = arith.constant 1048575 : i32
        %and3A_215 = vector.broadcast %and3A_214 : i32 to vector<16xi32>
        %and3A_216 = arith.andi %get3A_205, %and3A_215 : vector<16xi32>
        %select_n3A_217 = arith.select %eq3A_213, %and3A_216, %add3A_30 : vector<16xi1>, vector<16xi32>
        %swap3A_218 = arith.index_cast %scan3A_141 : i32 to index
        %swap3A_219 = arith.constant 32 : index
        %swap3A_220 = tpu.vector_load %arg8[%swap3A_218, %swap3A_219] {strides = array<i32>} : memref<82x128xi32, #tpu.memory_space<vmem>>, vector<1x16xi32>,
        %swap3A_221 = vector.shape_cast %swap3A_220 : vector<1x16xi32> to vector<16xi32>
        %swap3A_222 = vector.shape_cast %select_n3A_217 : vector<16xi32> to vector<1x16xi32>
        tpu.vector_store %arg8[%swap3A_218, %swap3A_219], %swap3A_222 {strides = array<i32>} : memref<82x128xi32, #tpu.memory_space<vmem>>, vector<1x16xi32>,
        %jit3A_223 = arith.constant 0.000000e+00 : f32
        %broadcast_in_dim3A_224 = vector.broadcast %jit3A_223 : f32 to vector<16xf32>
        %select_n3A_225 = arith.select %eq3A_213, %get3A_208, %broadcast_in_dim3A_224 : vector<16xi1>, vector<16xf32>
        %swap3A_226 = arith.index_cast %scan3A_141 : i32 to index
        %swap3A_227 = arith.constant 32 : index
        %swap3A_228 = tpu.vector_load %arg9[%swap3A_226, %swap3A_227] {strides = array<i32>} : memref<82x128xf32, #tpu.memory_space<vmem>>, vector<1x16xf32>,
        %swap3A_229 = vector.shape_cast %swap3A_228 : vector<1x16xf32> to vector<16xf32>
        %swap3A_230 = vector.shape_cast %select_n3A_225 : vector<16xf32> to vector<1x16xf32>
        tpu.vector_store %arg9[%swap3A_226, %swap3A_227], %swap3A_230 {strides = array<i32>} : memref<82x128xf32, #tpu.memory_space<vmem>>, vector<1x16xf32>,
        %mul3A_231 = arith.constant 128 : i32
        %mul3A_232 = arith.muli %scan3A_141, %mul3A_231 : i32
        %add3A_233 = arith.constant 48 : i32
        %add3A_234 = arith.addi %mul3A_232, %add3A_233 : i32
        %get3A_235 = arith.index_cast %add3A_234 : i32 to index
        %get3A_236 = tpu.vector_load %arg6[%get3A_235] {strides = array<i32>} : memref<10496xi32, #tpu.memory_space<vmem>>, vector<16xi32>,
        %get3A_237 = vector.shape_cast %get3A_236 : vector<16xi32> to vector<16xi32>
        %get3A_238 = arith.index_cast %add3A_234 : i32 to index
        %get3A_239 = tpu.vector_load %arg7[%get3A_238] {strides = array<i32>} : memref<10496xf32, #tpu.memory_space<vmem>>, vector<16xf32>,
        %get3A_240 = vector.shape_cast %get3A_239 : vector<16xf32> to vector<16xf32>
        %shift_right_arithmetic3A_241 = arith.constant 20 : i32
        %shift_right_arithmetic3A_242 = vector.broadcast %shift_right_arithmetic3A_241 : i32 to vector<16xi32>
        %shift_right_arithmetic3A_243 = arith.shrsi %get3A_237, %shift_right_arithmetic3A_242 : vector<16xi32>
        %eq3A_244 = vector.broadcast %add3A_42 : i32 to vector<16xi32>
        %eq3A_245 = arith.cmpi eq, %shift_right_arithmetic3A_243, %eq3A_244 : vector<16xi32>
        %and3A_246 = arith.constant 1048575 : i32
        %and3A_247 = vector.broadcast %and3A_246 : i32 to vector<16xi32>
        %and3A_248 = arith.andi %get3A_237, %and3A_247 : vector<16xi32>
        %select_n3A_249 = arith.select %eq3A_245, %and3A_248, %add3A_30 : vector<16xi1>, vector<16xi32>
        %swap3A_250 = arith.index_cast %scan3A_141 : i32 to index
        %swap3A_251 = arith.constant 48 : index
        %swap3A_252 = tpu.vector_load %arg8[%swap3A_250, %swap3A_251] {strides = array<i32>} : memref<82x128xi32, #tpu.memory_space<vmem>>, vector<1x16xi32>,
        %swap3A_253 = vector.shape_cast %swap3A_252 : vector<1x16xi32> to vector<16xi32>
        %swap3A_254 = vector.shape_cast %select_n3A_249 : vector<16xi32> to vector<1x16xi32>
        tpu.vector_store %arg8[%swap3A_250, %swap3A_251], %swap3A_254 {strides = array<i32>} : memref<82x128xi32, #tpu.memory_space<vmem>>, vector<1x16xi32>,
        %jit3A_255 = arith.constant 0.000000e+00 : f32
        %broadcast_in_dim3A_256 = vector.broadcast %jit3A_255 : f32 to vector<16xf32>
        %select_n3A_257 = arith.select %eq3A_245, %get3A_240, %broadcast_in_dim3A_256 : vector<16xi1>, vector<16xf32>
        %swap3A_258 = arith.index_cast %scan3A_141 : i32 to index
        %swap3A_259 = arith.constant 48 : index
        %swap3A_260 = tpu.vector_load %arg9[%swap3A_258, %swap3A_259] {strides = array<i32>} : memref<82x128xf32, #tpu.memory_space<vmem>>, vector<1x16xf32>,
        %swap3A_261 = vector.shape_cast %swap3A_260 : vector<1x16xf32> to vector<16xf32>
        %swap3A_262 = vector.shape_cast %select_n3A_257 : vector<16xf32> to vector<1x16xf32>
        tpu.vector_store %arg9[%swap3A_258, %swap3A_259], %swap3A_262 {strides = array<i32>} : memref<82x128xf32, #tpu.memory_space<vmem>>, vector<1x16xf32>,
        %mul3A_263 = arith.constant 128 : i32
        %mul3A_264 = arith.muli %scan3A_141, %mul3A_263 : i32
        %add3A_265 = arith.constant 64 : i32
        %add3A_266 = arith.addi %mul3A_264, %add3A_265 : i32
        %get3A_267 = arith.index_cast %add3A_266 : i32 to index
        %get3A_268 = tpu.vector_load %arg6[%get3A_267] {strides = array<i32>} : memref<10496xi32, #tpu.memory_space<vmem>>, vector<16xi32>,
        %get3A_269 = vector.shape_cast %get3A_268 : vector<16xi32> to vector<16xi32>
        %get3A_270 = arith.index_cast %add3A_266 : i32 to index
        %get3A_271 = tpu.vector_load %arg7[%get3A_270] {strides = array<i32>} : memref<10496xf32, #tpu.memory_space<vmem>>, vector<16xf32>,
        %get3A_272 = vector.shape_cast %get3A_271 : vector<16xf32> to vector<16xf32>
        %shift_right_arithmetic3A_273 = arith.constant 20 : i32
        %shift_right_arithmetic3A_274 = vector.broadcast %shift_right_arithmetic3A_273 : i32 to vector<16xi32>
        %shift_right_arithmetic3A_275 = arith.shrsi %get3A_269, %shift_right_arithmetic3A_274 : vector<16xi32>
        %eq3A_276 = vector.broadcast %add3A_42 : i32 to vector<16xi32>
        %eq3A_277 = arith.cmpi eq, %shift_right_arithmetic3A_275, %eq3A_276 : vector<16xi32>
        %and3A_278 = arith.constant 1048575 : i32
        %and3A_279 = vector.broadcast %and3A_278 : i32 to vector<16xi32>
        %and3A_280 = arith.andi %get3A_269, %and3A_279 : vector<16xi32>
        %select_n3A_281 = arith.select %eq3A_277, %and3A_280, %add3A_30 : vector<16xi1>, vector<16xi32>
        %swap3A_282 = arith.index_cast %scan3A_141 : i32 to index
        %swap3A_283 = arith.constant 64 : index
        %swap3A_284 = tpu.vector_load %arg8[%swap3A_282, %swap3A_283] {strides = array<i32>} : memref<82x128xi32, #tpu.memory_space<vmem>>, vector<1x16xi32>,
        %swap3A_285 = vector.shape_cast %swap3A_284 : vector<1x16xi32> to vector<16xi32>
        %swap3A_286 = vector.shape_cast %select_n3A_281 : vector<16xi32> to vector<1x16xi32>
        tpu.vector_store %arg8[%swap3A_282, %swap3A_283], %swap3A_286 {strides = array<i32>} : memref<82x128xi32, #tpu.memory_space<vmem>>, vector<1x16xi32>,
        %jit3A_287 = arith.constant 0.000000e+00 : f32
        %broadcast_in_dim3A_288 = vector.broadcast %jit3A_287 : f32 to vector<16xf32>
        %select_n3A_289 = arith.select %eq3A_277, %get3A_272, %broadcast_in_dim3A_288 : vector<16xi1>, vector<16xf32>
        %swap3A_290 = arith.index_cast %scan3A_141 : i32 to index
        %swap3A_291 = arith.constant 64 : index
        %swap3A_292 = tpu.vector_load %arg9[%swap3A_290, %swap3A_291] {strides = array<i32>} : memref<82x128xf32, #tpu.memory_space<vmem>>, vector<1x16xf32>,
        %swap3A_293 = vector.shape_cast %swap3A_292 : vector<1x16xf32> to vector<16xf32>
        %swap3A_294 = vector.shape_cast %select_n3A_289 : vector<16xf32> to vector<1x16xf32>
        tpu.vector_store %arg9[%swap3A_290, %swap3A_291], %swap3A_294 {strides = array<i32>} : memref<82x128xf32, #tpu.memory_space<vmem>>, vector<1x16xf32>,
        %mul3A_295 = arith.constant 128 : i32
        %mul3A_296 = arith.muli %scan3A_141, %mul3A_295 : i32
        %add3A_297 = arith.constant 80 : i32
        %add3A_298 = arith.addi %mul3A_296, %add3A_297 : i32
        %get3A_299 = arith.index_cast %add3A_298 : i32 to index
        %get3A_300 = tpu.vector_load %arg6[%get3A_299] {strides = array<i32>} : memref<10496xi32, #tpu.memory_space<vmem>>, vector<16xi32>,
        %get3A_301 = vector.shape_cast %get3A_300 : vector<16xi32> to vector<16xi32>
        %get3A_302 = arith.index_cast %add3A_298 : i32 to index
        %get3A_303 = tpu.vector_load %arg7[%get3A_302] {strides = array<i32>} : memref<10496xf32, #tpu.memory_space<vmem>>, vector<16xf32>,
        %get3A_304 = vector.shape_cast %get3A_303 : vector<16xf32> to vector<16xf32>
        %shift_right_arithmetic3A_305 = arith.constant 20 : i32
        %shift_right_arithmetic3A_306 = vector.broadcast %shift_right_arithmetic3A_305 : i32 to vector<16xi32>
        %shift_right_arithmetic3A_307 = arith.shrsi %get3A_301, %shift_right_arithmetic3A_306 : vector<16xi32>
        %eq3A_308 = vector.broadcast %add3A_42 : i32 to vector<16xi32>
        %eq3A_309 = arith.cmpi eq, %shift_right_arithmetic3A_307, %eq3A_308 : vector<16xi32>
        %and3A_310 = arith.constant 1048575 : i32
        %and3A_311 = vector.broadcast %and3A_310 : i32 to vector<16xi32>
        %and3A_312 = arith.andi %get3A_301, %and3A_311 : vector<16xi32>
        %select_n3A_313 = arith.select %eq3A_309, %and3A_312, %add3A_30 : vector<16xi1>, vector<16xi32>
        %swap3A_314 = arith.index_cast %scan3A_141 : i32 to index
        %swap3A_315 = arith.constant 80 : index
        %swap3A_316 = tpu.vector_load %arg8[%swap3A_314, %swap3A_315] {strides = array<i32>} : memref<82x128xi32, #tpu.memory_space<vmem>>, vector<1x16xi32>,
        %swap3A_317 = vector.shape_cast %swap3A_316 : vector<1x16xi32> to vector<16xi32>
        %swap3A_318 = vector.shape_cast %select_n3A_313 : vector<16xi32> to vector<1x16xi32>
        tpu.vector_store %arg8[%swap3A_314, %swap3A_315], %swap3A_318 {strides = array<i32>} : memref<82x128xi32, #tpu.memory_space<vmem>>, vector<1x16xi32>,
        %jit3A_319 = arith.constant 0.000000e+00 : f32
        %broadcast_in_dim3A_320 = vector.broadcast %jit3A_319 : f32 to vector<16xf32>
        %select_n3A_321 = arith.select %eq3A_309, %get3A_304, %broadcast_in_dim3A_320 : vector<16xi1>, vector<16xf32>
        %swap3A_322 = arith.index_cast %scan3A_141 : i32 to index
        %swap3A_323 = arith.constant 80 : index
        %swap3A_324 = tpu.vector_load %arg9[%swap3A_322, %swap3A_323] {strides = array<i32>} : memref<82x128xf32, #tpu.memory_space<vmem>>, vector<1x16xf32>,
        %swap3A_325 = vector.shape_cast %swap3A_324 : vector<1x16xf32> to vector<16xf32>
        %swap3A_326 = vector.shape_cast %select_n3A_321 : vector<16xf32> to vector<1x16xf32>
        tpu.vector_store %arg9[%swap3A_322, %swap3A_323], %swap3A_326 {strides = array<i32>} : memref<82x128xf32, #tpu.memory_space<vmem>>, vector<1x16xf32>,
        %mul3A_327 = arith.constant 128 : i32
        %mul3A_328 = arith.muli %scan3A_141, %mul3A_327 : i32
        %add3A_329 = arith.constant 96 : i32
        %add3A_330 = arith.addi %mul3A_328, %add3A_329 : i32
        %get3A_331 = arith.index_cast %add3A_330 : i32 to index
        %get3A_332 = tpu.vector_load %arg6[%get3A_331] {strides = array<i32>} : memref<10496xi32, #tpu.memory_space<vmem>>, vector<16xi32>,
        %get3A_333 = vector.shape_cast %get3A_332 : vector<16xi32> to vector<16xi32>
        %get3A_334 = arith.index_cast %add3A_330 : i32 to index
        %get3A_335 = tpu.vector_load %arg7[%get3A_334] {strides = array<i32>} : memref<10496xf32, #tpu.memory_space<vmem>>, vector<16xf32>,
        %get3A_336 = vector.shape_cast %get3A_335 : vector<16xf32> to vector<16xf32>
        %shift_right_arithmetic3A_337 = arith.constant 20 : i32
        %shift_right_arithmetic3A_338 = vector.broadcast %shift_right_arithmetic3A_337 : i32 to vector<16xi32>
        %shift_right_arithmetic3A_339 = arith.shrsi %get3A_333, %shift_right_arithmetic3A_338 : vector<16xi32>
        %eq3A_340 = vector.broadcast %add3A_42 : i32 to vector<16xi32>
        %eq3A_341 = arith.cmpi eq, %shift_right_arithmetic3A_339, %eq3A_340 : vector<16xi32>
        %and3A_342 = arith.constant 1048575 : i32
        %and3A_343 = vector.broadcast %and3A_342 : i32 to vector<16xi32>
        %and3A_344 = arith.andi %get3A_333, %and3A_343 : vector<16xi32>
        %select_n3A_345 = arith.select %eq3A_341, %and3A_344, %add3A_30 : vector<16xi1>, vector<16xi32>
        %swap3A_346 = arith.index_cast %scan3A_141 : i32 to index
        %swap3A_347 = arith.constant 96 : index
        %swap3A_348 = tpu.vector_load %arg8[%swap3A_346, %swap3A_347] {strides = array<i32>} : memref<82x128xi32, #tpu.memory_space<vmem>>, vector<1x16xi32>,
        %swap3A_349 = vector.shape_cast %swap3A_348 : vector<1x16xi32> to vector<16xi32>
        %swap3A_350 = vector.shape_cast %select_n3A_345 : vector<16xi32> to vector<1x16xi32>
        tpu.vector_store %arg8[%swap3A_346, %swap3A_347], %swap3A_350 {strides = array<i32>} : memref<82x128xi32, #tpu.memory_space<vmem>>, vector<1x16xi32>,
        %jit3A_351 = arith.constant 0.000000e+00 : f32
        %broadcast_in_dim3A_352 = vector.broadcast %jit3A_351 : f32 to vector<16xf32>
        %select_n3A_353 = arith.select %eq3A_341, %get3A_336, %broadcast_in_dim3A_352 : vector<16xi1>, vector<16xf32>
        %swap3A_354 = arith.index_cast %scan3A_141 : i32 to index
        %swap3A_355 = arith.constant 96 : index
        %swap3A_356 = tpu.vector_load %arg9[%swap3A_354, %swap3A_355] {strides = array<i32>} : memref<82x128xf32, #tpu.memory_space<vmem>>, vector<1x16xf32>,
        %swap3A_357 = vector.shape_cast %swap3A_356 : vector<1x16xf32> to vector<16xf32>
        %swap3A_358 = vector.shape_cast %select_n3A_353 : vector<16xf32> to vector<1x16xf32>
        tpu.vector_store %arg9[%swap3A_354, %swap3A_355], %swap3A_358 {strides = array<i32>} : memref<82x128xf32, #tpu.memory_space<vmem>>, vector<1x16xf32>,
        %mul3A_359 = arith.constant 128 : i32
        %mul3A_360 = arith.muli %scan3A_141, %mul3A_359 : i32
        %add3A_361 = arith.constant 112 : i32
        %add3A_362 = arith.addi %mul3A_360, %add3A_361 : i32
        %get3A_363 = arith.index_cast %add3A_362 : i32 to index
        %get3A_364 = tpu.vector_load %arg6[%get3A_363] {strides = array<i32>} : memref<10496xi32, #tpu.memory_space<vmem>>, vector<16xi32>,
        %get3A_365 = vector.shape_cast %get3A_364 : vector<16xi32> to vector<16xi32>
        %get3A_366 = arith.index_cast %add3A_362 : i32 to index
        %get3A_367 = tpu.vector_load %arg7[%get3A_366] {strides = array<i32>} : memref<10496xf32, #tpu.memory_space<vmem>>, vector<16xf32>,
        %get3A_368 = vector.shape_cast %get3A_367 : vector<16xf32> to vector<16xf32>
        %shift_right_arithmetic3A_369 = arith.constant 20 : i32
        %shift_right_arithmetic3A_370 = vector.broadcast %shift_right_arithmetic3A_369 : i32 to vector<16xi32>
        %shift_right_arithmetic3A_371 = arith.shrsi %get3A_365, %shift_right_arithmetic3A_370 : vector<16xi32>
        %eq3A_372 = vector.broadcast %add3A_42 : i32 to vector<16xi32>
        %eq3A_373 = arith.cmpi eq, %shift_right_arithmetic3A_371, %eq3A_372 : vector<16xi32>
        %and3A_374 = arith.constant 1048575 : i32
        %and3A_375 = vector.broadcast %and3A_374 : i32 to vector<16xi32>
        %and3A_376 = arith.andi %get3A_365, %and3A_375 : vector<16xi32>
        %select_n3A_377 = arith.select %eq3A_373, %and3A_376, %add3A_30 : vector<16xi1>, vector<16xi32>
        %swap3A_378 = arith.index_cast %scan3A_141 : i32 to index
        %swap3A_379 = arith.constant 112 : index
        %swap3A_380 = tpu.vector_load %arg8[%swap3A_378, %swap3A_379] {strides = array<i32>} : memref<82x128xi32, #tpu.memory_space<vmem>>, vector<1x16xi32>,
        %swap3A_381 = vector.shape_cast %swap3A_380 : vector<1x16xi32> to vector<16xi32>
        %swap3A_382 = vector.shape_cast %select_n3A_377 : vector<16xi32> to vector<1x16xi32>
        tpu.vector_store %arg8[%swap3A_378, %swap3A_379], %swap3A_382 {strides = array<i32>} : memref<82x128xi32, #tpu.memory_space<vmem>>, vector<1x16xi32>,
        %jit3A_383 = arith.constant 0.000000e+00 : f32
        %broadcast_in_dim3A_384 = vector.broadcast %jit3A_383 : f32 to vector<16xf32>
        %select_n3A_385 = arith.select %eq3A_373, %get3A_368, %broadcast_in_dim3A_384 : vector<16xi1>, vector<16xf32>
        %swap3A_386 = arith.index_cast %scan3A_141 : i32 to index
        %swap3A_387 = arith.constant 112 : index
        %swap3A_388 = tpu.vector_load %arg9[%swap3A_386, %swap3A_387] {strides = array<i32>} : memref<82x128xf32, #tpu.memory_space<vmem>>, vector<1x16xf32>,
        %swap3A_389 = vector.shape_cast %swap3A_388 : vector<1x16xf32> to vector<16xf32>
        %swap3A_390 = vector.shape_cast %select_n3A_385 : vector<16xf32> to vector<1x16xf32>
        tpu.vector_store %arg9[%swap3A_386, %swap3A_387], %swap3A_390 {strides = array<i32>} : memref<82x128xf32, #tpu.memory_space<vmem>>, vector<1x16xf32>,
      }
      %scan3A_79 = arith.constant 82 : i32
      %add3A_80 = arith.constant 0 : i32
      %add3A_81 = arith.addi %mul3A_32, %add3A_80 : i32
      %dma_wait3A = tpu.memref_slice %arg11[%add3A_81] : memref<1048576xf32, #tpu.memory_space<vmem_shared>> -> memref<8192xf32, #tpu.memory_space<vmem_shared>>
      %dma_wait3A_82 = tpu.memref_slice %arg11[%add3A_81] : memref<1048576xf32, #tpu.memory_space<vmem_shared>> -> memref<8192xf32, #tpu.memory_space<vmem_shared>>
      tpu.wait_dma2 semaphore(%arg12 : memref<!tpu.dma_semaphore, #tpu.memory_space<semaphore_mem>>) src(%arg10 : memref<8192xf32, #tpu.memory_space<vmem>>) dst(%dma_wait3A_82 : memref<8192xf32, #tpu.memory_space<vmem_shared>>)
      %add3A_83 = arith.constant 8192 : i32
      %add3A_84 = arith.addi %mul3A_32, %add3A_83 : i32
      %dma_wait3A_85 = tpu.memref_slice %arg11[%add3A_84] : memref<1048576xf32, #tpu.memory_space<vmem_shared>> -> memref<8192xf32, #tpu.memory_space<vmem_shared>>
      %dma_wait3A_86 = tpu.memref_slice %arg11[%add3A_84] : memref<1048576xf32, #tpu.memory_space<vmem_shared>> -> memref<8192xf32, #tpu.memory_space<vmem_shared>>
      tpu.wait_dma2 semaphore(%arg12 : memref<!tpu.dma_semaphore, #tpu.memory_space<semaphore_mem>>) src(%arg10 : memref<8192xf32, #tpu.memory_space<vmem>>) dst(%dma_wait3A_86 : memref<8192xf32, #tpu.memory_space<vmem_shared>>)
      %add3A_87 = arith.constant 16384 : i32
      %add3A_88 = arith.addi %mul3A_32, %add3A_87 : i32
      %dma_wait3A_89 = tpu.memref_slice %arg11[%add3A_88] : memref<1048576xf32, #tpu.memory_space<vmem_shared>> -> memref<8192xf32, #tpu.memory_space<vmem_shared>>
      %dma_wait3A_90 = tpu.memref_slice %arg11[%add3A_88] : memref<1048576xf32, #tpu.memory_space<vmem_shared>> -> memref<8192xf32, #tpu.memory_space<vmem_shared>>
      tpu.wait_dma2 semaphore(%arg12 : memref<!tpu.dma_semaphore, #tpu.memory_space<semaphore_mem>>) src(%arg10 : memref<8192xf32, #tpu.memory_space<vmem>>) dst(%dma_wait3A_90 : memref<8192xf32, #tpu.memory_space<vmem_shared>>)
      %add3A_91 = arith.constant 24576 : i32
      %add3A_92 = arith.addi %mul3A_32, %add3A_91 : i32
      %dma_wait3A_93 = tpu.memref_slice %arg11[%add3A_92] : memref<1048576xf32, #tpu.memory_space<vmem_shared>> -> memref<8192xf32, #tpu.memory_space<vmem_shared>>
      %dma_wait3A_94 = tpu.memref_slice %arg11[%add3A_92] : memref<1048576xf32, #tpu.memory_space<vmem_shared>> -> memref<8192xf32, #tpu.memory_space<vmem_shared>>
      tpu.wait_dma2 semaphore(%arg12 : memref<!tpu.dma_semaphore, #tpu.memory_space<semaphore_mem>>) src(%arg10 : memref<8192xf32, #tpu.memory_space<vmem>>) dst(%dma_wait3A_94 : memref<8192xf32, #tpu.memory_space<vmem_shared>>)
      %add3A_95 = arith.constant 32768 : i32
      %add3A_96 = arith.addi %mul3A_32, %add3A_95 : i32
      %dma_wait3A_97 = tpu.memref_slice %arg11[%add3A_96] : memref<1048576xf32, #tpu.memory_space<vmem_shared>> -> memref<8192xf32, #tpu.memory_space<vmem_shared>>
      %dma_wait3A_98 = tpu.memref_slice %arg11[%add3A_96] : memref<1048576xf32, #tpu.memory_space<vmem_shared>> -> memref<8192xf32, #tpu.memory_space<vmem_shared>>
      tpu.wait_dma2 semaphore(%arg12 : memref<!tpu.dma_semaphore, #tpu.memory_space<semaphore_mem>>) src(%arg10 : memref<8192xf32, #tpu.memory_space<vmem>>) dst(%dma_wait3A_98 : memref<8192xf32, #tpu.memory_space<vmem_shared>>)
      %add3A_99 = arith.constant 40960 : i32
      %add3A_100 = arith.addi %mul3A_32, %add3A_99 : i32
      %dma_wait3A_101 = tpu.memref_slice %arg11[%add3A_100] : memref<1048576xf32, #tpu.memory_space<vmem_shared>> -> memref<8192xf32, #tpu.memory_space<vmem_shared>>
      %dma_wait3A_102 = tpu.memref_slice %arg11[%add3A_100] : memref<1048576xf32, #tpu.memory_space<vmem_shared>> -> memref<8192xf32, #tpu.memory_space<vmem_shared>>
      tpu.wait_dma2 semaphore(%arg12 : memref<!tpu.dma_semaphore, #tpu.memory_space<semaphore_mem>>) src(%arg10 : memref<8192xf32, #tpu.memory_space<vmem>>) dst(%dma_wait3A_102 : memref<8192xf32, #tpu.memory_space<vmem_shared>>)
      %add3A_103 = arith.constant 49152 : i32
      %add3A_104 = arith.addi %mul3A_32, %add3A_103 : i32
      %dma_wait3A_105 = tpu.memref_slice %arg11[%add3A_104] : memref<1048576xf32, #tpu.memory_space<vmem_shared>> -> memref<8192xf32, #tpu.memory_space<vmem_shared>>
      %dma_wait3A_106 = tpu.memref_slice %arg11[%add3A_104] : memref<1048576xf32, #tpu.memory_space<vmem_shared>> -> memref<8192xf32, #tpu.memory_space<vmem_shared>>
      tpu.wait_dma2 semaphore(%arg12 : memref<!tpu.dma_semaphore, #tpu.memory_space<semaphore_mem>>) src(%arg10 : memref<8192xf32, #tpu.memory_space<vmem>>) dst(%dma_wait3A_106 : memref<8192xf32, #tpu.memory_space<vmem_shared>>)
      %add3A_107 = arith.constant 57344 : i32
      %add3A_108 = arith.addi %mul3A_32, %add3A_107 : i32
      %dma_wait3A_109 = tpu.memref_slice %arg11[%add3A_108] : memref<1048576xf32, #tpu.memory_space<vmem_shared>> -> memref<8192xf32, #tpu.memory_space<vmem_shared>>
      %dma_wait3A_110 = tpu.memref_slice %arg11[%add3A_108] : memref<1048576xf32, #tpu.memory_space<vmem_shared>> -> memref<8192xf32, #tpu.memory_space<vmem_shared>>
      tpu.wait_dma2 semaphore(%arg12 : memref<!tpu.dma_semaphore, #tpu.memory_space<semaphore_mem>>) src(%arg10 : memref<8192xf32, #tpu.memory_space<vmem>>) dst(%dma_wait3A_110 : memref<8192xf32, #tpu.memory_space<vmem_shared>>)
      %barrier3A = arith.constant 0 : index
      tpu.barrier barrier_id(%barrier3A)
      %scan3A_111 = arith.constant 0 : i32
      %scan3A_112 = arith.constant 0 : i32
      %scan3A_113 = arith.constant 82 : i32
      %scan3A_114 = arith.addi %scan3A_112, %scan3A_113 : i32
      %scan3A_115 = arith.constant 1 : i32
      scf.for %scan3A_141 = %scan3A_112 to %scan3A_114 step %scan3A_115  : i32 {
        %dma_start3A_142 = arith.constant 0 : i32
        %dma_start3A_143 = tpu.memref_slice %arg9[%scan3A_141, %dma_start3A_142] : memref<82x128xf32, #tpu.memory_space<vmem>> -> memref<1x128xf32, #tpu.memory_space<vmem>>
        %dma_start3A_144 = tpu.memref_squeeze %dma_start3A_143 : memref<1x128xf32, #tpu.memory_space<vmem>> -> memref<128xf32, #tpu.memory_space<vmem>>
        %dma_start3A_145 = arith.constant 0 : i32
        %dma_start3A_146 = tpu.memref_slice %arg8[%scan3A_141, %dma_start3A_145] : memref<82x128xi32, #tpu.memory_space<vmem>> -> memref<1x128xi32, #tpu.memory_space<vmem>>
        %dma_start3A_147 = tpu.memref_squeeze %dma_start3A_146 : memref<1x128xi32, #tpu.memory_space<vmem>> -> memref<128xi32, #tpu.memory_space<vmem>>
        %dma_start3A_148 = arith.constant 0 : i32
        %dma_start3A_149 = tpu.memref_slice %arg11[%dma_start3A_148] : memref<1048576xf32, #tpu.memory_space<vmem_shared>> -> memref<1048576xf32, #tpu.memory_space<vmem_shared>>
        tpu.enqueue_indirect_dma source(%dma_start3A_144 : memref<128xf32, #tpu.memory_space<vmem>>) target(%dma_start3A_149 : memref<1048576xf32, #tpu.memory_space<vmem_shared>>) offsets(%dma_start3A_147 : memref<128xi32, #tpu.memory_space<vmem>>) semaphore(%arg12 : memref<!tpu.dma_semaphore, #tpu.memory_space<semaphore_mem>>) {add = true}
        %ge3A = arith.constant 8 : i32
        %ge3A_150 = arith.cmpi sge, %scan3A_141, %ge3A : i32
        %convert_element_type3A = arith.extui %ge3A_150 : i1 to i32
        %cond3A = arith.constant 0 : i32
        %cond3A_151 = arith.cmpi ne, %convert_element_type3A, %cond3A : i32
        scf.if %cond3A_151 {
          %dma_wait3A_152 = arith.constant 0 : i32
          %dma_wait3A_153 = arith.constant 0 : i32
          %dma_wait3A_154 = arith.constant 0 : i32
          %dma_wait3A_155 = tpu.memref_slice %arg9[%dma_wait3A_152, %dma_wait3A_154] : memref<82x128xf32, #tpu.memory_space<vmem>> -> memref<1x128xf32, #tpu.memory_space<vmem>>
          %dma_wait3A_156 = tpu.memref_squeeze %dma_wait3A_155 : memref<1x128xf32, #tpu.memory_space<vmem>> -> memref<128xf32, #tpu.memory_space<vmem>>
          %dma_wait3A_157 = arith.constant 0 : i32
          %dma_wait3A_158 = tpu.memref_slice %arg8[%dma_wait3A_153, %dma_wait3A_157] : memref<82x128xi32, #tpu.memory_space<vmem>> -> memref<1x128xi32, #tpu.memory_space<vmem>>
          %dma_wait3A_159 = tpu.memref_squeeze %dma_wait3A_158 : memref<1x128xi32, #tpu.memory_space<vmem>> -> memref<128xi32, #tpu.memory_space<vmem>>
          %dma_wait3A_160 = arith.constant 0 : i32
          %dma_wait3A_161 = tpu.memref_slice %arg11[%dma_wait3A_160] : memref<1048576xf32, #tpu.memory_space<vmem_shared>> -> memref<1048576xf32, #tpu.memory_space<vmem_shared>>
          tpu.wait_indirect_dma semaphore(%arg12 : memref<!tpu.dma_semaphore, #tpu.memory_space<semaphore_mem>>) src(%dma_wait3A_156 : memref<128xf32, #tpu.memory_space<vmem>>) dst(%dma_wait3A_161 : memref<1048576xf32, #tpu.memory_space<vmem_shared>>)
        } else {
        }
      }
      %scan3A_116 = arith.constant 82 : i32
      %scan3A_117 = arith.constant 0 : i32
      %scan3A_118 = arith.constant 0 : i32
      %scan3A_119 = arith.constant 8 : i32
      %scan3A_120 = arith.addi %scan3A_118, %scan3A_119 : i32
      %scan3A_121 = arith.constant 1 : i32
      scf.for %scan3A_141 = %scan3A_118 to %scan3A_120 step %scan3A_121  : i32 {
        %dma_wait3A_142 = arith.constant 0 : i32
        %dma_wait3A_143 = arith.constant 0 : i32
        %dma_wait3A_144 = arith.constant 0 : i32
        %dma_wait3A_145 = tpu.memref_slice %arg9[%dma_wait3A_142, %dma_wait3A_144] : memref<82x128xf32, #tpu.memory_space<vmem>> -> memref<1x128xf32, #tpu.memory_space<vmem>>
        %dma_wait3A_146 = tpu.memref_squeeze %dma_wait3A_145 : memref<1x128xf32, #tpu.memory_space<vmem>> -> memref<128xf32, #tpu.memory_space<vmem>>
        %dma_wait3A_147 = arith.constant 0 : i32
        %dma_wait3A_148 = tpu.memref_slice %arg8[%dma_wait3A_143, %dma_wait3A_147] : memref<82x128xi32, #tpu.memory_space<vmem>> -> memref<1x128xi32, #tpu.memory_space<vmem>>
        %dma_wait3A_149 = tpu.memref_squeeze %dma_wait3A_148 : memref<1x128xi32, #tpu.memory_space<vmem>> -> memref<128xi32, #tpu.memory_space<vmem>>
        %dma_wait3A_150 = arith.constant 0 : i32
        %dma_wait3A_151 = tpu.memref_slice %arg11[%dma_wait3A_150] : memref<1048576xf32, #tpu.memory_space<vmem_shared>> -> memref<1048576xf32, #tpu.memory_space<vmem_shared>>
        tpu.wait_indirect_dma semaphore(%arg12 : memref<!tpu.dma_semaphore, #tpu.memory_space<semaphore_mem>>) src(%dma_wait3A_146 : memref<128xf32, #tpu.memory_space<vmem>>) dst(%dma_wait3A_151 : memref<1048576xf32, #tpu.memory_space<vmem_shared>>)
      }
      %scan3A_122 = arith.constant 8 : i32
      %barrier3A_123 = arith.constant 0 : index
      tpu.barrier barrier_id(%barrier3A_123)
      %mul3A_124 = arith.constant 256 : i32
      %mul3A_125 = arith.muli %add3A_42, %mul3A_124 : i32
      %mul3A_126 = arith.constant 16 : i32
      %mul3A_127 = arith.muli %arg1, %mul3A_126 : i32
      %add3A_128 = arith.addi %mul3A_125, %mul3A_127 : i32
      %scan3A_129 = arith.constant 0 : i32
      %scan3A_130 = arith.constant 0 : i32
      %scan3A_131 = arith.constant 16 : i32
      %scan3A_132 = arith.addi %scan3A_130, %scan3A_131 : i32
      %scan3A_133 = arith.constant 1 : i32
      scf.for %scan3A_141 = %scan3A_130 to %scan3A_132 step %scan3A_133  : i32 {
        %mul3A_142 = arith.constant 4096 : i32
        %mul3A_143 = arith.muli %scan3A_141, %mul3A_142 : i32
        %add3A_144 = arith.addi %mul3A_32, %mul3A_143 : i32
        %add3A_145 = arith.addi %add3A_128, %scan3A_141 : i32
        %dma_start3A_146 = arith.constant 0 : i32
        %dma_start3A_147 = tpu.memref_slice %arg5[%add3A_145, %dma_start3A_146] : memref<4096x4096xf32, #tpu.memory_space<hbm>> -> memref<1x4096xf32, #tpu.memory_space<hbm>>
        %dma_start3A_148 = tpu.memref_squeeze %dma_start3A_147 : memref<1x4096xf32, #tpu.memory_space<hbm>> -> memref<4096xf32, #tpu.memory_space<hbm>>
        %dma_start3A_149 = tpu.memref_slice %arg11[%add3A_144] : memref<1048576xf32, #tpu.memory_space<vmem_shared>> -> memref<4096xf32, #tpu.memory_space<vmem_shared>>
        tpu.enqueue_dma source(%dma_start3A_149 : memref<4096xf32, #tpu.memory_space<vmem_shared>>) target(%dma_start3A_148 : memref<4096xf32, #tpu.memory_space<hbm>>) target_semaphore(%arg12 : memref<!tpu.dma_semaphore, #tpu.memory_space<semaphore_mem>>)
      }
      %scan3A_134 = arith.constant 16 : i32
      %scan3A_135 = arith.constant 0 : i32
      %scan3A_136 = arith.constant 0 : i32
      %scan3A_137 = arith.constant 16 : i32
      %scan3A_138 = arith.addi %scan3A_136, %scan3A_137 : i32
      %scan3A_139 = arith.constant 1 : i32
      scf.for %scan3A_141 = %scan3A_136 to %scan3A_138 step %scan3A_139  : i32 {
        %dma_wait3A_142 = arith.constant 0 : i32
        %dma_wait3A_143 = arith.constant 0 : i32
        %dma_wait3A_144 = tpu.memref_slice %arg5[%dma_wait3A_142, %dma_wait3A_143] : memref<4096x4096xf32, #tpu.memory_space<hbm>> -> memref<1x4096xf32, #tpu.memory_space<hbm>>
        %dma_wait3A_145 = tpu.memref_squeeze %dma_wait3A_144 : memref<1x4096xf32, #tpu.memory_space<hbm>> -> memref<4096xf32, #tpu.memory_space<hbm>>
        %dma_wait3A_146 = tpu.memref_slice %arg11[%mul3A_32] : memref<1048576xf32, #tpu.memory_space<vmem_shared>> -> memref<4096xf32, #tpu.memory_space<vmem_shared>>
        tpu.wait_dma2 semaphore(%arg12 : memref<!tpu.dma_semaphore, #tpu.memory_space<semaphore_mem>>) src(%dma_wait3A_146 : memref<4096xf32, #tpu.memory_space<vmem_shared>>) dst(%dma_wait3A_145 : memref<4096xf32, #tpu.memory_space<hbm>>)
      }
      %scan3A_140 = arith.constant 16 : i32
    }
    %scan3A_38 = arith.constant 8 : i32
    return
  }
}

module attributes {stable_mosaic.version = 14 : i64} {
  func.func @_mm_body(%arg0: i32, %arg1: memref<1024x4096xf32, #tpu.memory_space<vmem>>, %arg2: memref<512x4096xf32, #tpu.memory_space<vmem>>, %arg3: memref<1x1x512xf32, #tpu.memory_space<vmem>>, %arg4: memref<1024x512xf32, #tpu.memory_space<vmem>>) attributes {dimension_semantics = [#tpu.dimension_semantics<arbitrary>], iteration_bounds = array<i64: 8>, scalar_prefetch = 0 : i64, scratch_operands = 0 : i64, tpu.core_type = #tpu.core_type<tc>, window_params = [{pipeline_mode = #tpu.pipeline_mode<synchronous>, transform_indices = @transform_0, window_bounds = array<i64: 1024, 4096>}, {transform_indices = @transform_1, window_bounds = array<i64: 512, 4096>}, {transform_indices = @transform_2, window_bounds = array<i64: 1, 1, 512>}, {transform_indices = @transform_3, window_bounds = array<i64: 1024, 512>}]} {
    %get3A = arith.constant 0 : index
    %get3A_0 = arith.constant 0 : index
    %get3A_1 = vector.load %arg1[%get3A, %get3A_0] : memref<1024x4096xf32, #tpu.memory_space<vmem>>, vector<1024x4096xf32>
    %convert_element_type3A = arith.truncf %get3A_1 : vector<1024x4096xf32> to vector<1024x4096xbf16>
    %get3A_2 = arith.constant 0 : index
    %get3A_3 = arith.constant 0 : index
    %get3A_4 = vector.load %arg2[%get3A_2, %get3A_3] : memref<512x4096xf32, #tpu.memory_space<vmem>>, vector<512x4096xf32>
    %convert_element_type3A_5 = arith.truncf %get3A_4 : vector<512x4096xf32> to vector<512x4096xbf16>
    %dot_general3A = arith.constant dense<0.000000e+00> : vector<1024x512xf32>
    %dot_general3A_6 = tpu.matmul %convert_element_type3A, %convert_element_type3A_5, %dot_general3A {dimension_numbers = #tpu.dot_dimension_numbers<[1], [1], [0], [0], [0, 0, 1, 0], [], []>, transpose_lhs_hint = false} : vector<1024x4096xbf16>, vector<512x4096xbf16>, vector<1024x512xf32> -> vector<1024x512xf32>
    %get3A_7 = arith.constant 0 : index
    %get3A_8 = arith.constant 0 : index
    %get3A_9 = arith.constant 0 : index
    %get3A_10 = vector.load %arg3[%get3A_7, %get3A_8, %get3A_9] : memref<1x1x512xf32, #tpu.memory_space<vmem>>, vector<1x1x512xf32>
    %get3A_11 = vector.shape_cast %get3A_10 : vector<1x1x512xf32> to vector<1x512xf32>
    %add3A = vector.broadcast %get3A_11 : vector<1x512xf32> to vector<1024x512xf32>
    %add3A_12 = arith.addf %dot_general3A_6, %add3A : vector<1024x512xf32>
    %ge3A = arith.constant 0.000000e+00 : f32
    %ge3A_13 = vector.broadcast %ge3A : f32 to vector<1024x512xf32>
    %ge3A_14 = arith.cmpf oge, %add3A_12, %ge3A_13 : vector<1024x512xf32>
    %mul3A = arith.constant 0.00999999977 : f32
    %mul3A_15 = vector.broadcast %mul3A : f32 to vector<1024x512xf32>
    %mul3A_16 = arith.mulf %mul3A_15, %add3A_12 : vector<1024x512xf32>
    %select_n3A = arith.select %ge3A_14, %add3A_12, %mul3A_16 : vector<1024x512xi1>, vector<1024x512xf32>
    %swap3A = arith.constant 0 : index
    %swap3A_17 = arith.constant 0 : index
    %swap3A_18 = vector.load %arg4[%swap3A, %swap3A_17] : memref<1024x512xf32, #tpu.memory_space<vmem>>, vector<1024x512xf32>
    tpu.vector_store %arg4[%swap3A, %swap3A_17], %select_n3A {strides = array<i32>} : memref<1024x512xf32, #tpu.memory_space<vmem>>, vector<1024x512xf32>,
    return
  }
  func.func @transform_0(%arg0: i32) -> (i32, i32) {
    %c0_i32 = arith.constant 0 : i32
    %c0_i32_0 = arith.constant 0 : i32
    %c0_i32_1 = arith.constant 0 : i32
    return %c0_i32, %c0_i32_0 : i32, i32
  }
  func.func @transform_1(%arg0: i32) -> (i32, i32) {
    %c0_i32 = arith.constant 0 : i32
    %c0_i32_0 = arith.constant 0 : i32
    return %arg0, %c0_i32 : i32, i32
  }
  func.func @transform_2(%arg0: i32) -> (i32, i32, i32) {
    %c0_i32 = arith.constant 0 : i32
    %c0_i32_0 = arith.constant 0 : i32
    %c0_i32_1 = arith.constant 0 : i32
    return %arg0, %c0_i32, %c0_i32_0 : i32, i32, i32
  }
  func.func @transform_3(%arg0: i32) -> (i32, i32) {
    %c0_i32 = arith.constant 0 : i32
    %c0_i32_0 = arith.constant 0 : i32
    return %c0_i32, %arg0 : i32, i32
  }
}

</mosaic_0001>

<sc_bundles>
// kernel: kernel.4.cloned.1.call-start
scs
__scs_entry_jumppad:
0x0: {  	(pc) =	sbr.rel $0x88, $3  }
0x1: {  	(tag) =	ssettag $0x0;
	lr =	simm.s32 $0x1  }
0x2: {  	[smem:$0x3F9C] =	sst lr;
	_ =	strace $0xD0000000  }
0x3: {  	_ = 	snop  }
0x4: {  	_ = 	snop  }
0x5: {  	_ = 	snop  }
0x6: {  	_ = 	snop  }
0x7: {  	_ = 	snop  }
__scs_overlays_trampoline_lowered:
0x8: {  	[smem:$0x3FAB] =	sst s0  }
0x9: {  	[smem:$0x3FAC] =	sst s1  }
0xa: {  	[smem:$0x3FAD] =	sst s2  }
0xb: {  	[smem:$0x3FAE] =	sst s3  }
0xc: {  	[smem:$0x3FAF] =	sst s4  }
0xd: {  	[smem:$0x3FB0] =	sst s5  }
0xe: {  	[smem:$0x3FB1] =	sst s6  }
0xf: {  	[smem:$0x3FB2] =	sst s7  }
0x10: {  	[smem:$0x3FB3] =	sst s8  }
0x11: {  	[smem:$0x3FB4] =	sst s9;
	s0 =	simm.s32 @!p0 $0x0  }
0x12: {  	s1 =	sld [smem:$0x3F9A];
	s0 =	simm.s32 @p0 $0x1  }
0x13: {  	[smem:$0x3FB5] =	sst s0;
	s0 =	simm.s32 @!p1 $0x0  }
0x14: {  	s2 =	sld [smem:$0x3F99];
	s0 =	simm.s32 @p1 $0x1  }
0x15: {  	[smem:$0x3FB6] =	sst s0;
	s0 =	simm.s32 @!p2 $0x0  }
0x16: {  	s3 =	sld [smem:$0x3FDB];
	s0 =	simm.s32 @p2 $0x1  }
0x17: {  	s4 =	simm.s32 $0x1BF5;
	[smem:$0x3FB8] =	sst s0  }
0x18: {  	s0 =	sld [smem:$0x3F9B];
	_ =	swait.ge [sflag:s4], $0x0  }
0x19: {  	s7 =	sld [smem:$0x3F9C]  }
0x1a: {  	s8 =	sadd.s32 $0xFFFFE003, lr  }
0x1b: {  	s9 =	sadd.s32 $0xFFFFFEF7, lr;
	s5 =	simm.s32 $0xFFFFFFFF;
	p2 =	slt.u32 s8, $0xFFFFF086  }
0x1c: {  	p1 =	slt.u32 s9, $0xF7A;
	s5 =	simm.s32 @!p2 $0x0  }
0x1d: {  	s5 =	simm.s32 @p1 $0x1;
	p0 =	seq.s32 s7, s2  }
0x1e: {  	s7 =	smul.u32 @!p0 $0xF7A, s2;
	p2 =	seq.s32 @!p0 s5, $0x0  }
0x1f: {  	s9 =	smul.u32 $0xF7A, s1;
	s8 =	simm.s32 @!p0 $0x1BF5;
	p2 =	por !p2, p0  }
0x20: {  	[sflag:s8] =	ssyncset.s32 @!p0 $0xFFFFF086;
	s6 =	sadd.s32 @!p0 s3, s7;
	s7 =	simm.s32 @!p0 $0x108  }
0x21: {  	s3 =	sadd.s32 s3, s9;
	s6 =	sadd.s32 @!p0 $0x88, s6;
	s7 =	simm.s32 @p2 $0x1082  }
0x22: {  	[simem:s7], [sflag:s8] =	dma.local @!p0 [hbm:s6], $0xF7A  }
0x23: {  	s9 =	sor.u32 $0xD0000000, s2;
	s6 =	simm.s32 $0x108;
	_ =	swait.ge @!p0 [sflag:s8], $0x0  }
0x24: {  	s3 =	sadd.s32 $0x88, s3;
	s6 =	simm.s32 @!p1 $0x1082;
	[sflag:s4] =	ssyncset.s32 $0xFFFFF086  }
0x25: {  	[simem:s6], [sflag:s4] =	dma.local [hbm:s3], $0xF7A  }
0x26: {  	[smem:$0x3F9C] =	sst s1;
	(tag) =	ssettag s2;
	_ =	strace s9  }
0x27: {  	s1 =	sld [smem:$0x3FAC]  }
0x28: {  	s2 =	sld [smem:$0x3FAD]  }
0x29: {  	s4 =	sld [smem:$0x3FAF]  }
0x2a: {  	p0 =	seq.s32 s5, $0x0;
	s5 =	sld [smem:$0x3FB0]  }
0x2b: {  	s6 =	sld [smem:$0x3FB1]  }
0x2c: {  	s7 =	sld [smem:$0x3FB2]  }
0x2d: {  	s3 =	simm.s32 $0x108;
	s8 =	sld [smem:$0x3FB3]  }
0x2e: {  	s3 =	simm.s32 @!p0 $0x1082;
	s9 =	sld [smem:$0x3FB4]  }
0x2f: {  	lr =	sadd.s32 s0, s3;
	s0 =	sld [smem:$0x3FAB]  }
0x30: {  	s3 =	sld [smem:$0x3FAE]  }
0x31: {  	[smem:$0x3FB7] =	sst s10  }
0x32: {  	s10 =	sld [smem:$0x3FB5];
	_ =	sdelay $0x3  }
0x33: {  	p0 =	seq.s32 s10, $0x1;
	s10 =	sld [smem:$0x3FB7];
	_ =	sdelay $0x3  }
0x34: {  	[smem:$0x3FB7] =	sst s10  }
0x35: {  	s10 =	sld [smem:$0x3FB6];
	_ =	sdelay $0x3  }
0x36: {  	p1 =	seq.s32 s10, $0x1;
	s10 =	sld [smem:$0x3FB7];
	_ =	sdelay $0x3  }
0x37: {  	[smem:$0x3FB7] =	sst s10  }
0x38: {  	s10 =	sld [smem:$0x3FB8]  }
0x39: {  	_ = 	snop;
	(pc) =	sbr.ind lr, $3  }
0x3a: {  	_ = 	snop  }
0x3b: {  	_ = 	snop  }
0x3c: {  	p2 =	seq.s32 s10, $0x1;
	s10 =	sld [smem:$0x3FB7]  }
0x3d: {  	_ =	shalt  }
0x3e: {  	_ =	shalt  }
0x3f: {  	_ =	shalt  }
0x40: {  	_ =	shalt  }
0x41: {  	_ =	shalt  }
0x42: {  	_ =	shalt  }
0x43: {  	_ =	shalt  }
0x44: {  	_ =	shalt  }
0x45: {  	_ =	shalt  }
0x46: {  	_ =	shalt  }
0x47: {  	_ =	shalt  }
0x48: {  	_ =	shalt  }
0x49: {  	_ =	shalt  }
0x4a: {  	_ =	shalt  }
0x4b: {  	_ =	shalt  }
0x4c: {  	_ =	shalt  }
0x4d: {  	_ =	shalt  }
0x4e: {  	_ =	shalt  }
0x4f: {  	_ =	shalt  }
0x50: {  	_ =	shalt  }
0x51: {  	_ =	shalt  }
0x52: {  	_ =	shalt  }
0x53: {  	_ =	shalt  }
0x54: {  	_ =	shalt  }
0x55: {  	_ =	shalt  }
0x56: {  	_ =	shalt  }
0x57: {  	_ =	shalt  }
0x58: {  	_ =	shalt  }
0x59: {  	_ =	shalt  }
0x5a: {  	_ =	shalt  }
0x5b: {  	_ =	shalt  }
0x5c: {  	_ =	shalt  }
0x5d: {  	_ =	shalt  }
0x5e: {  	_ =	shalt  }
0x5f: {  	_ =	shalt  }
0x60: {  	_ =	shalt  }
0x61: {  	_ =	shalt  }
0x62: {  	_ =	shalt  }
0x63: {  	_ =	shalt  }
0x64: {  	_ =	shalt  }
0x65: {  	_ =	shalt  }
0x66: {  	_ =	shalt  }
0x67: {  	_ =	shalt  }
0x68: {  	_ =	shalt  }
0x69: {  	_ =	shalt  }
0x6a: {  	_ =	shalt  }
0x6b: {  	_ =	shalt  }
0x6c: {  	_ =	shalt  }
0x6d: {  	_ =	shalt  }
0x6e: {  	_ =	shalt  }
0x6f: {  	_ =	shalt  }
0x70: {  	_ =	shalt  }
0x71: {  	_ =	shalt  }
0x72: {  	_ =	shalt  }
0x73: {  	_ =	shalt  }
0x74: {  	_ =	shalt  }
0x75: {  	_ =	shalt  }
0x76: {  	_ =	shalt  }
0x77: {  	_ =	shalt  }
0x78: {  	_ =	shalt  }
0x79: {  	_ =	shalt  }
0x7a: {  	_ =	shalt  }
0x7b: {  	_ =	shalt  }
0x7c: {  	_ =	shalt  }
0x7d: {  	_ =	shalt  }
0x7e: {  	_ =	shalt  }
0x7f: {  	_ =	shalt  }
0x80: {  	_ =	shalt  }
0x81: {  	_ =	shalt  }
0x82: {  	_ =	shalt  }
0x83: {  	_ =	shalt  }
0x84: {  	_ =	shalt  }
0x85: {  	_ =	shalt  }
0x86: {  	_ =	shalt  }
0x87: {  	_ =	shalt  }
.Lfunc_end0:
.L_simem_size_0:
called_computation_lowered:
.L_overlay_start_0:
0x88: {  	s2 =	sld [smem:$0x3FD9]  }
0x89: {  	s3 =	sld [smem:$0x3FFE];
	_ =	sdelay $0x1  }
0x8a: {  	s1 =	srdreg.scid  }
0x8b: {  	s0 =	sand.u32 $0x1, s1  }
0x8c: {  	s17 =	sshll.u32 s0, $0xA;
	s2 =	sadd.s32 s3, s2  }
0x8d: {  	s2 =	sadd.s32 s2, s17  }
0x8e: {  	[smem:$0x3FC3] =	sst s2  }
0x8f: {  	_ = 	snop  }
0x90: {  	s2 =	sld [smem:$0x3FD0];
	(tm) =	ssettm $0x1  }
0x91: {  	s18 =	sld [smem:$0x3FFB];
	_ =	sdelay $0x3  }
0x92: {  	_ =	strace s18  }
0x93: {  	s3 =	sld [smem:$0x3FFC];
	_ =	sdelay $0x3  }
0x94: {  	_ =	strace s3  }
0x95: {  	s3 =	sld [smem:$0x3FFD];
	_ =	sdelay $0x3  }
0x96: {  	_ =	strace s3  }
0x97: {  	_ =	strace $0x8FFFFFFF  }
0x98: {  	s19 =	sld [smem:$0x3FDB];
	_ =	sdelay $0x1  }
0x99: {  	s4 =	simm.s32 $_scs_section_size  }
0x9a: {  	s5 =	simm.s32 $_size__tile_overlayer_lowered;
	s6 =	simm.s32 $_tile_overlayer_lowered  }
0x9b: {  	s22 =	simm.s32 $0x1BFF;
	s21 =	sshll.u32 s6, $0x1;
	s3 =	sadd.s32 s4, s19  }
0x9c: {  	s7 =	simm.s32 $0x0;
	s20 =	sshll.u32 s5, $0x1;
	s5 =	sadd.s32 s21, s3  }
0x9d: {  	[timem:s7], [sflag:s22] =	dma.local [hbm:s5], s20  }
0x9e: {  	_ =	swait.ge [sflag:s22], s20  }
0x9f: {  	s4 =	ssub.s32 $0x0, s20;
	[sflag:s22] =	ssyncset.done $0x0  }
0xa0: {  	[sflag:s22] =	ssyncadd.s32 s4;
	_ =	sdelay $0x1  }
0xa1: {  	s23 =	simm.s32 $0x1B8B  }
0xa2: {  	_ =	swait.ge [sflag:s23], $0x1  }
0xa3: {  	[sflag:s23] =	ssyncset.done $0x0  }
0xa4: {  	s25 =	simm.s32 $0x1B8E;
	s24 =	sld [smem:$0x3FFE];
	[sflag:s23] =	ssyncadd.s32 $0xFFFFFFFF  }
0xa5: {  	s26 =	simm.s32 $execute0_lowered;
	[smem:$0x3FD2] =	sst s25  }
0xa6: {  	s5 =	sshll.u32 s26, $0x1;
	_ =	strace $0x80000046;
	[dreg:$0x1] =	wrdreg $0xFFFFFFFF  }
0xa7: {  	s28 =	simm.s32 $_size_execute0_lowered;
	s3 =	sadd.s32 s3, s5;
	[dreg:$0x0] =	wrdreg $0x0  }
0xa8: {  	s5 =	sshll.u32 s28, $0x1;
	[dreg:$0x2] =	wrdreg s3  }
0xa9: {  	[dreg:$0x3] =	wrdreg s5  }
0xaa: {  	[dreg:$0x4] =	wrdreg $0xC0  }
0xab: {  	_ =	task [dreg:s7], $0x5FFFF  }
0xac: {  	[dreg:$0x1] =	wrdreg $0xFFFFFFFF  }
0xad: {  	[dreg:$0x0] =	wrdreg $0x60  }
0xae: {  	[dreg:$0x2] =	wrdreg s2  }
0xaf: {  	[dreg:$0x3] =	wrdreg s24  }
0xb0: {  	[dreg:$0x4] =	wrdreg $0xCA000  }
0xb1: {  	[dreg:$0x5] =	wrdreg $0x9  }
0xb2: {  	_ =	task.clear_ibuf [dreg:s7], $0x6FFFF;
	_ =	strace $0x90000046  }
0xb3: {  	s29 =	simm.s32 $0x9;
	_ =	strace $0x80000048  }
0xb4: {  	_ =	swait.ge [sflag:s29], $0x1  }
0xb5: {  	[sflag:s29] =	ssyncadd.s32 $0xFFFFFFFF  }
0xb6: {  	_ =	strace $0x90000048  }
0xb7: {  	_ =	sfence  }
0xb8: {  	s30 =	sld [smem:$0x0];
	_ =	sdelay $0x2  }
0xb9: {  	s31 =	sshll.u32 s1, $0xD;
	s1 =	sshrl.u32 s1, $0x2  }
0xba: {  	s3 =	sand.u32 $0x4000, s31;
	s1 =	sadd.s32 s1, s30  }
0xbb: {  	s0 =	sor.u32 s3, s0;
	s1 =	sshll.u32 s1, $0x11  }
0xbc: {  	s0 =	sor.u32 s1, s0  }
0xbd: {  	s0 =	sadd.s32 $0x8F2B, s0  }
0xbe: {  	[sflag:s0] =	ssyncadd.remote.s32 $0x1  }
0xbf: {  	_ =	sfence.sel $0xFFFF  }
0xc0: {  	[dreg:$0x0] =	wrdreg $0xFFFFFFFF;
	(pc) =	sbr.abs _section_cstart, $3  }
0xc1: {  	[dreg:$0x1] =	wrdreg $0xFFFFFFFF  }
0xc2: {  	_ =	task.clear_ibuf [dreg:s7], $0x2FFFF;
	_ =	strace $0x9FFFFFFF  }
0xc3: {  	(tm) =	ssettm $0x7FFFFFFF  }
tec
execute0_lowered:
.L_overlay_start_1:
0x0: {  	(tag) =	ssettag $0x1  }
0x1: {  	s0 =	rddreg [dreg:$0x0]  }
0x2: {  	s4 =	rddreg [dreg:$0x1]  }
0x3: {  	s2 =	rddreg [dreg:$0x2];
	s1 =	stileid.u32  }
0x4: {  	s3 =	simm.s32 $0x0;
	s6 =	srdreg.scid;
	s21 =	simm.s32 $0x1  }
0x5: {  	s22 =	simm.s32 $0xAA00;
	s23 =	simm.s32 $0x80;
	s24 =	simm.s32 $0x10  }
0x6: {  	s25 =	simm.s32 $0x0;
	s5 =	smul.u32 $0x2900, s1;
	[smem:$0x7FF] =	sst s3  }
0x7: {  	s17 =	sand.u32 $0x1, s6;
	s30 =	sshll.u32 s1, $0x10;
	s31 =	sshll.u32 s1, $0x8  }
0x8: {  	s18 =	smul.u32 $0x520, s1;
	s20 =	sshll.u32 s1, $0xD;
	_ =	strace $0x80000047  }
0x9: {  	s6 =	ssub.s32 $0x2, s17;
	s8 =	sshll.u32 s17, $0x3;
	s19 =	sshll.u32 s17, $0x14  }
0xa: {  	s5 =	sshrl.u32 s5, $0x3;
	s7 =	sshrl.u32 s6, $0x1;
	s17 =	sadd.s32 s18, s0  }
0xb: {  	s18 =	sor.u32 s20, s19;
	s19 =	simm.s32 $0x2;
	s5 =	sadd.s32 s5, s4  }
0xc: {  	s4 =	sadd.s32 $0xBA00, s4;
	s16 =	ssub.s32 s6, s7;
	s7 =	sadd.s32 s30, s2  }
0xd: {  	v0 =	vlaneseq.u32;
	s29 =	sadd.s32 $0x1600, s5;
	s5 =	sadd.s32 $0x6800, s5;
	s9 =	sadd.s32 $0x2000, s7  }
0xe: {  	v0 =	vmul.u32 $0x10, v0;
	s10 =	sadd.s32 $0x4000, s7;
	s11 =	sadd.s32 $0x6000, s7;
	s12 =	sadd.s32 $0x8000, s7  }
0xf: {  	s13 =	sadd.s32 $0xA000, s7;
	s14 =	sadd.s32 $0xC000, s7;
	[dreg:$0x4] =	wrdreg s29  }
0x10: {  	v1 =	vimm.f32 $0.0e+00;
	v0 =	vor.u32 s31, v0;
	s15 =	sadd.s32 $0xE000, s7;
	s16 =	smax.u32 s16, $0x1;
	[dreg:$0x5] =	wrdreg s5  }
.LBB2_1:
0x11: {  	s0 =	rddreg [dreg:$0x4]  }
0x12: {  	[tilespmem:s3], [sflag:$0x2] =	stream.linear.gather [hbm4b:s0+s3], $0x2900, $0x38;
	[tilespmem:$0x1CA00] =	vst v63  }
0x13: {  	_ =	swait.ge [sflag:s19], $0x2900  }
0x14: {  	[sflag:s19] =	ssyncset.done $0x0  }
0x15: {  	s5 =	simm.s32 $0x2900;
	s31 =	rddreg [dreg:$0x5];
	[sflag:s19] =	ssyncadd.s32 $0xFFFFD700  }
0x16: {  	[tilespmem:s5], [sflag:$0x2] =	stream.linear.gather [hbm4b:s31+s3], $0x2900, $0x38;
	[tilespmem:$0x1CA00] =	vst v63  }
0x17: {  	_ =	swait.ge [sflag:s19], $0x2900  }
0x18: {  	[sflag:s19] =	ssyncset.done $0x0  }
0x19: {  	s20 =	simm.s32 $0x0;
	s0 =	simm.s32 $0x5200;
	[sflag:s19] =	ssyncadd.s32 $0xFFFFD700  }
.LBB2_2:
0x1a: {  	p0 =	sne.s32 s20, $0x510  }
.Ltmp0:
0x1b: {  	_ = 	snop;
	(pc) =	sbr.rel @p0 .LBB2_2-.Ltmp0, $4  }
0x1c: {  	_ = 	snop  }
0x1d: {  	s5 =	sadd.s32 s20, s17  }
0x1e: {  	[tilespmem:s0], [sflag:$0x1] =	stream.linear.gather [hbm4b:s5+s3], $0x80, $0x38;
	[tilespmem:$0x1CA00] =	vst v63  }
0x1f: {  	s20 =	sadd.s32 $0x10, s20;
	s0 =	sadd.s32 $0x80, s0  }
0x20: {  	_ =	swait.ge [sflag:s21], $0x80  }
0x21: {  	s0 =	simm.s32 $0x51;
	[sflag:s21] =	ssyncset.done $0x0  }
.LBB2_4:
0x22: {  	p0 =	sne.s32 s0, $0x1;
	s0 =	sadd.s32 $0xFFFFFFFF, s0;
	[sflag:s21] =	ssyncadd.s32 $0xFFFFFF80  }
.Ltmp1:
0x23: {  	(pc) =	sbr.rel @p0 .LBB2_4-.Ltmp1, $3  }
0x24: {  	_ =	sdelay $0x1  }
0x25: {  	_ =	swait.ge [sflag:s21], $0x80  }
0x26: {  	s26 =	simm.s32 $0x0;
	[sflag:s21] =	ssyncset.done $0x0  }
0x27: {  	s0 =	sand.u32 $0xFE00, s26  }
0x28: {  	s5 =	sand.u32 $0x70, s26;
	s0 =	sshrl.u32 s0, $0x2  }
0x29: {  	[sflag:s21] =	ssyncadd.s32 $0xFFFFFF80;
	s0 =	sor.u32 s5, s0  }
0x2a: {  	s29 =	simm.s32 $0x0;
	v3 =	vld [tilespmem:s0+$0x5200]  }
0x2b: {  	v2 =	vld [tilespmem:s29+$0x0];
	_ =	sdelay $0x2  }
0x2c: {  	s28 =	simm.s32 $0x40  }
0x2d: {  	s30 =	simm.s32 $0x80;
	s31 =	simm.s32 $0x10;
	s0 =	sand.u32 $0xFE00, s28;
	v3 =	vshll.u32 v3, $0xC  }
.LBB2_6:
0x2e: {  	p0 =	sne.s32 s30, $0xA3C0;
	s5 =	sand.u32 $0x70, s31;
	s0 =	sshrl.u32 s0, $0x2;
	v2 =	vadd.s32 v2, v3  }
0x2f: {  	s0 =	sor.u32 s5, s0;
	[tilespmem:s29+$0x0] =	vst v2  }
0x30: {  	s29 =	sshra.s32 s28, $0x2;
	s28 =	smov.u32 s30;
	v3 =	vld [tilespmem:s0+$0x5200]  }
.Ltmp2:
0x31: {  	v2 =	vld [tilespmem:s29+$0x0];
	(pc) =	sbr.rel @p0 .LBB2_6-.Ltmp2, $2  }
0x32: {  	_ =	sdelay $0x2  }
0x33: {  	s31 =	sadd.s32 $0x10, s31;
	s30 =	sadd.s32 $0x40, s30;
	s0 =	sand.u32 $0xFE00, s28;
	v3 =	vshll.u32 v3, $0xC  }
0x34: {  	s5 =	sand.u32 $0x70, s31;
	s0 =	sshrl.u32 s0, $0x2;
	v2 =	vadd.s32 v2, v3  }
0x35: {  	s0 =	sor.u32 s5, s0;
	[tilespmem:s29+$0x0] =	vst v2  }
0x36: {  	s31 =	sshra.s32 s28, $0x2;
	v2 =	vld [tilespmem:s0+$0x5200]  }
0x37: {  	v3 =	vld [tilespmem:s31+$0x0];
	_ =	sdelay $0x3  }
0x38: {  	v2 =	vshll.u32 v2, $0xC  }
0x39: {  	v2 =	vadd.s32 v3, v2  }
0x3a: {  	[tilespmem:s31+$0x0] =	vst v2  }
.LBB2_8:
0x3b: {  	p0 =	sne.s32 s26, $0x7FC0  }
.Ltmp3:
0x3c: {  	_ = 	snop;
	(pc) =	sbr.rel @p0 .LBB2_8-.Ltmp3, $3  }
0x3d: {  	_ =	sdelay $0x1  }
0x3e: {  	s0 =	sshra.s32 s26, $0x2  }
0x3f: {  	s26 =	sadd.s32 $0x40, s26;
	[tilespmem:s0+$0xAA00] =	vst v1  }
0x40: {  	s26 =	simm.s32 $0x0;
	s28 =	smov.u32 s18  }
.LBB2_10:
0x41: {  	[spmem:s7] =	stream.linear.scatter [tilespmem:s22], [sflag:$0x1], $0x2000, $0x38;
	[tilespmem:$0x1CA00] =	vst v63  }
0x42: {  	_ = 	snop  }
0x43: {  	[spmem:s9] =	stream.linear.scatter [tilespmem:s22], [sflag:$0x1], $0x2000, $0x38;
	[tilespmem:$0x1CA00] =	vst v63  }
0x44: {  	_ = 	snop  }
0x45: {  	[spmem:s10] =	stream.linear.scatter [tilespmem:s22], [sflag:$0x1], $0x2000, $0x38;
	[tilespmem:$0x1CA00] =	vst v63  }
0x46: {  	_ = 	snop  }
0x47: {  	[spmem:s11] =	stream.linear.scatter [tilespmem:s22], [sflag:$0x1], $0x2000, $0x38;
	[tilespmem:$0x1CA00] =	vst v63  }
0x48: {  	_ = 	snop  }
0x49: {  	[spmem:s12] =	stream.linear.scatter [tilespmem:s22], [sflag:$0x1], $0x2000, $0x38;
	[tilespmem:$0x1CA00] =	vst v63  }
0x4a: {  	_ = 	snop  }
0x4b: {  	[spmem:s13] =	stream.linear.scatter [tilespmem:s22], [sflag:$0x1], $0x2000, $0x38;
	[tilespmem:$0x1CA00] =	vst v63  }
0x4c: {  	_ = 	snop  }
0x4d: {  	[spmem:s14] =	stream.linear.scatter [tilespmem:s22], [sflag:$0x1], $0x2000, $0x38;
	[tilespmem:$0x1CA00] =	vst v63  }
0x4e: {  	s29 =	simm.s32 $0x70  }
0x4f: {  	[spmem:s15] =	stream.linear.scatter [tilespmem:s22], [sflag:$0x1], $0x2000, $0x38;
	[tilespmem:$0x1CA00] =	vst v63  }
0x50: {  	v3 =	vld [tilespmem:s29+$0x0]  }
0x51: {  	v6 =	vld [tilespmem:s29+$0xFFFFFFA0]  }
0x52: {  	v7 =	vld [tilespmem:s29+$0xFFFFFFB0]  }
0x53: {  	v9 =	vld [tilespmem:s29+$0xFFFFFFC0]  }
0x54: {  	v4 =	vld [tilespmem:s29+$0xFFFFFF90]  }
0x55: {  	v5 =	vld [tilespmem:s29+$0x2900]  }
0x56: {  	s0 =	sadd.s32 s8, s26  }
0x57: {  	v2 =	vmov s0;
	v10 =	vld [tilespmem:s29+$0xFFFFFFD0];
	v8 =	vshra.s32 v3, $0x14;
	v3 =	vand.u32 $0xFFFFF, v3  }
0x58: {  	v11 =	vld [tilespmem:s29+$0xFFFFFFE0];
	v14 =	vand.u32 $0xFFFFF, v6;
	v16 =	vand.u32 $0xFFFFF, v7;
	v17 =	vand.u32 $0xFFFFF, v9  }
0x59: {  	v12 =	vld [tilespmem:s29+$0xFFFFFFF0];
	vm0 =	veq.s32 v8, v2;
	v8 =	vshra.s32 v4, $0x14;
	v4 =	vand.u32 $0xFFFFF, v4  }
0x5a: {  	v5 =	vnsel vm0, $0x0, v5;
	v13 =	vsel vm0, v3, v0;
	v3 =	vshra.s32 v6, $0x14  }
0x5b: {  	vm1 =	veq.s32 v8, v2;
	[tilespmem:s29+$0x7E00] =	vst v5;
	v5 =	vld [tilespmem:s29+$0x2890];
	vm5 =	veq.s32 v3, v2;
	v3 =	vshra.s32 v7, $0x14  }
0x5c: {  	v15 =	vld [tilespmem:s29+$0x28A0];
	v4 =	vsel vm1, v4, v0;
	vm4 =	veq.s32 v3, v2;
	v3 =	vshra.s32 v9, $0x14  }
0x5d: {  	v8 =	vld [tilespmem:s29+$0x28B0];
	[tilespmem:s29+$0x5190] =	vst v4;
	v9 =	vand.u32 $0xFFFFF, v10;
	v4 =	vand.u32 $0xFFFFF, v11;
	vm3 =	veq.s32 v3, v2  }
0x5e: {  	v7 =	vld [tilespmem:s29+$0x28C0];
	v3 =	vshra.s32 v10, $0x14;
	v10 =	vshra.s32 v11, $0x14;
	v11 =	vshra.s32 v12, $0x14  }
0x5f: {  	v6 =	vld [tilespmem:s29+$0x28D0];
	[tilespmem:s29+$0x5200] =	vst v13;
	v13 =	vsel vm4, v16, v0;
	vm2 =	veq.s32 v3, v2;
	vm0 =	veq.s32 v10, v2  }
0x60: {  	v3 =	vld [tilespmem:s29+$0x28E0];
	v10 =	vnsel vm1, $0x0, v5;
	v5 =	vand.u32 $0xFFFFF, v12;
	v12 =	vsel vm5, v14, v0  }
0x61: {  	s30 =	simm.s32 $0xF0;
	s31 =	simm.s32 $0x5C0;
	vm1 =	veq.s32 v11, v2;
	v14 =	vnsel vm5, $0x0, v15;
	v11 =	vsel vm3, v17, v0;
	[tilespmem:s29+$0x7D90] =	vst v10;
	v10 =	vld [tilespmem:s29+$0x28F0]  }
.LBB2_11:
0x62: {  	p0 =	sne.s32 s31, $0xA3C0;
	v15 =	vld [tilespmem:s30+$0x0];
	[tilespmem:s29+$0x51A0] =	vst v12;
	v8 =	vnsel vm4, $0x0, v8;
	v9 =	vsel vm2, v9, v0;
	v4 =	vsel vm0, v4, v0  }
0x63: {  	v5 =	vsel vm1, v5, v0;
	v12 =	vld [tilespmem:s30+$0xFFFFFF90];
	[tilespmem:s29+$0x7DA0] =	vst v14;
	v7 =	vnsel vm3, $0x0, v7  }
0x64: {  	v14 =	vld [tilespmem:s30+$0x2900];
	[tilespmem:s29+$0x51B0] =	vst v13;
	v6 =	vnsel vm2, $0x0, v6  }
0x65: {  	v13 =	vld [tilespmem:s30+$0xFFFFFFA0];
	[tilespmem:s29+$0x7DB0] =	vst v8;
	v3 =	vnsel vm0, $0x0, v3  }
0x66: {  	v8 =	vld [tilespmem:s30+$0xFFFFFFB0];
	[tilespmem:s29+$0x51C0] =	vst v11;
	v10 =	vnsel vm1, $0x0, v10  }
0x67: {  	v11 =	vld [tilespmem:s30+$0xFFFFFFC0];
	v16 =	vshra.s32 v15, $0x14;
	v15 =	vand.u32 $0xFFFFF, v15;
	[tilespmem:s29+$0x7DC0] =	vst v7  }
0x68: {  	v7 =	vshra.s32 v12, $0x14;
	v12 =	vand.u32 $0xFFFFF, v12;
	v17 =	vld [tilespmem:s30+$0xFFFFFFD0];
	vm0 =	veq.s32 v16, v2;
	[tilespmem:s29+$0x51D0] =	vst v9  }
0x69: {  	vm1 =	veq.s32 v7, v2;
	v16 =	vld [tilespmem:s30+$0xFFFFFFE0];
	v15 =	vsel vm0, v15, v0;
	v7 =	vnsel vm0, $0x0, v14;
	[tilespmem:s29+$0x7DD0] =	vst v6  }
0x6a: {  	v6 =	vsel vm1, v12, v0;
	v9 =	vshra.s32 v13, $0x14;
	v12 =	vand.u32 $0xFFFFF, v13;
	v13 =	vld [tilespmem:s30+$0xFFFFFFF0];
	[tilespmem:s30+$0x7E00] =	vst v7  }
0x6b: {  	v14 =	vld [tilespmem:s30+$0x2890];
	[tilespmem:s30+$0x5190] =	vst v6;
	vm5 =	veq.s32 v9, v2;
	v6 =	vshra.s32 v8, $0x14;
	v18 =	vand.u32 $0xFFFFF, v8  }
0x6c: {  	v19 =	vld [tilespmem:s30+$0x28A0];
	vm4 =	veq.s32 v6, v2;
	v6 =	vshra.s32 v11, $0x14;
	v11 =	vand.u32 $0xFFFFF, v11;
	[tilespmem:s29+$0x51E0] =	vst v4  }
.Ltmp4:
0x6d: {  	v8 =	vld [tilespmem:s30+$0x28B0];
	vm3 =	veq.s32 v6, v2;
	v4 =	vshra.s32 v17, $0x14;
	v9 =	vand.u32 $0xFFFFF, v17;
	[tilespmem:s29+$0x7DE0] =	vst v3;
	(pc) =	sbr.rel @p0 .LBB2_11-.Ltmp4, $4  }
0x6e: {  	v7 =	vld [tilespmem:s30+$0x28C0];
	vm2 =	veq.s32 v4, v2;
	v3 =	vshra.s32 v16, $0x14;
	v4 =	vand.u32 $0xFFFFF, v16;
	[tilespmem:s29+$0x51F0] =	vst v5  }
0x6f: {  	v6 =	vld [tilespmem:s30+$0x28D0];
	vm0 =	veq.s32 v3, v2;
	v16 =	vshra.s32 v13, $0x14;
	v5 =	vand.u32 $0xFFFFF, v13;
	[tilespmem:s29+$0x7DF0] =	vst v10;
	s29 =	smov.u32 s30  }
0x70: {  	v12 =	vsel vm5, v12, v0;
	v10 =	vnsel vm1, $0x0, v14;
	v3 =	vld [tilespmem:s29+$0x28E0];
	vm1 =	veq.s32 v16, v2;
	[tilespmem:s29+$0x5200] =	vst v15  }
0x71: {  	v11 =	vsel vm3, v11, v0;
	s30 =	sshra.s32 s31, $0x2;
	s31 =	sadd.s32 $0x200, s31;
	v13 =	vsel vm4, v18, v0;
	[tilespmem:s29+$0x7D90] =	vst v10;
	v14 =	vnsel vm5, $0x0, v19;
	v10 =	vld [tilespmem:s29+$0x28F0]  }
0x72: {  	v15 =	vld [tilespmem:s30+$0x0];
	[tilespmem:s29+$0x51A0] =	vst v12  }
0x73: {  	v12 =	vld [tilespmem:s30+$0xFFFFFF90];
	[tilespmem:s29+$0x7DA0] =	vst v14  }
0x74: {  	v8 =	vnsel vm4, $0x0, v8;
	v14 =	vld [tilespmem:s30+$0x2900];
	[tilespmem:s29+$0x51B0] =	vst v13  }
0x75: {  	v13 =	vld [tilespmem:s30+$0xFFFFFFA0];
	[tilespmem:s29+$0x7DB0] =	vst v8  }
0x76: {  	v7 =	vnsel vm3, $0x0, v7;
	v8 =	vld [tilespmem:s30+$0xFFFFFFB0];
	[tilespmem:s29+$0x51C0] =	vst v11  }
0x77: {  	v43 =	vsel vm2, v9, v0;
	v11 =	vld [tilespmem:s30+$0xFFFFFFC0];
	[tilespmem:s29+$0x7DC0] =	vst v7;
	v45 =	vshra.s32 v15, $0x14  }
0x78: {  	v6 =	vnsel vm2, $0x0, v6;
	v44 =	vld [tilespmem:s30+$0xFFFFFFD0];
	[tilespmem:s29+$0x51D0] =	vst v43;
	vm8 =	veq.s32 v45, v2;
	v46 =	vshra.s32 v12, $0x14  }
0x79: {  	v12 =	vand.u32 $0xFFFFF, v12;
	v16 =	vld [tilespmem:s30+$0xFFFFFFE0];
	[tilespmem:s29+$0x7DD0] =	vst v6;
	v7 =	vnsel vm8, $0x0, v14;
	vm9 =	veq.s32 v46, v2  }
0x7a: {  	v47 =	vld [tilespmem:s30+$0xFFFFFFF0];
	[tilespmem:s30+$0x7E00] =	vst v7;
	v6 =	vsel vm9, v12, v0  }
0x7b: {  	v4 =	vsel vm0, v4, v0;
	v48 =	vld [tilespmem:s30+$0x2890];
	[tilespmem:s30+$0x5190] =	vst v6  }
0x7c: {  	v3 =	vnsel vm0, $0x0, v3;
	v49 =	vld [tilespmem:s30+$0x28A0];
	[tilespmem:s29+$0x51E0] =	vst v4  }
0x7d: {  	v4 =	vld [tilespmem:s30+$0x28B0];
	[tilespmem:s29+$0x7DE0] =	vst v3;
	v3 =	vsel vm1, v5, v0  }
0x7e: {  	v52 =	vand.u32 $0xFFFFF, v15;
	v50 =	vld [tilespmem:s30+$0x28C0];
	[tilespmem:s29+$0x51F0] =	vst v3;
	v3 =	vnsel vm1, $0x0, v10  }
0x7f: {  	v54 =	vshra.s32 v13, $0x14;
	v51 =	vld [tilespmem:s30+$0x28D0];
	[tilespmem:s29+$0x7DF0] =	vst v3;
	v3 =	vsel vm8, v52, v0  }
0x80: {  	vm10 =	veq.s32 v54, v2;
	v55 =	vshra.s32 v8, $0x14;
	v7 =	vnsel vm9, $0x0, v48;
	[tilespmem:s30+$0x5200] =	vst v3  }
0x81: {  	v8 =	vand.u32 $0xFFFFF, v8;
	v6 =	vnsel vm10, $0x0, v49;
	v3 =	vand.u32 $0xFFFFF, v13;
	[tilespmem:s30+$0x7D90] =	vst v7  }
0x82: {  	vm11 =	veq.s32 v55, v2;
	v60 =	vshra.s32 v16, $0x14;
	[tilespmem:s30+$0x7DA0] =	vst v6;
	v3 =	vsel vm10, v3, v0  }
0x83: {  	v61 =	vand.u32 $0xFFFFF, v16;
	v7 =	vsel vm11, v8, v0;
	[tilespmem:s30+$0x51A0] =	vst v3;
	v3 =	vshra.s32 v11, $0x14  }
0x84: {  	vm14 =	veq.s32 v60, v2;
	[tilespmem:s30+$0x51B0] =	vst v7;
	vm12 =	veq.s32 v3, v2;
	v3 =	vnsel vm11, $0x0, v4  }
0x85: {  	v57 =	vand.u32 $0xFFFFF, v11;
	v53 =	vld [tilespmem:s30+$0x28E0];
	v4 =	vsel vm14, v61, v0;
	[tilespmem:s30+$0x7DB0] =	vst v3  }
0x86: {  	v58 =	vshra.s32 v44, $0x14;
	v6 =	vsel vm12, v57, v0;
	[tilespmem:s30+$0x51E0] =	vst v4  }
0x87: {  	vm13 =	veq.s32 v58, v2;
	v56 =	vld [tilespmem:s30+$0x28F0];
	v3 =	vand.u32 $0xFFFFF, v44;
	v59 =	vnsel vm12, $0x0, v50;
	[tilespmem:s30+$0x51C0] =	vst v6  }
0x88: {  	v3 =	vsel vm13, v3, v0;
	[tilespmem:s30+$0x7DC0] =	vst v59  }
0x89: {  	v62 =	vnsel vm13, $0x0, v51;
	[tilespmem:s30+$0x51D0] =	vst v3;
	v3 =	vshra.s32 v47, $0x14  }
0x8a: {  	v63 =	vand.u32 $0xFFFFF, v47;
	[tilespmem:s30+$0x7DD0] =	vst v62;
	vm15 =	veq.s32 v3, v2;
	v2 =	vnsel vm14, $0x0, v53  }
0x8b: {  	v3 =	vsel vm15, v63, v0;
	[tilespmem:s30+$0x7DE0] =	vst v2  }
0x8c: {  	v2 =	vnsel vm15, $0x0, v56;
	[tilespmem:s30+$0x51F0] =	vst v3  }
0x8d: {  	[tilespmem:s30+$0x7DF0] =	vst v2  }
0x8e: {  	_ =	swait.ge [sflag:s21], $0x2000  }
0x8f: {  	[sflag:s21] =	ssyncset.done $0x0  }
0x90: {  	[sflag:s21] =	ssyncadd.s32 $0xFFFFE000  }
0x91: {  	_ =	swait.ge [sflag:s21], $0x2000  }
0x92: {  	[sflag:s21] =	ssyncset.done $0x0  }
0x93: {  	[sflag:s21] =	ssyncadd.s32 $0xFFFFE000  }
0x94: {  	_ =	swait.ge [sflag:s21], $0x2000  }
0x95: {  	[sflag:s21] =	ssyncset.done $0x0  }
0x96: {  	[sflag:s21] =	ssyncadd.s32 $0xFFFFE000  }
0x97: {  	_ =	swait.ge [sflag:s21], $0x2000  }
0x98: {  	[sflag:s21] =	ssyncset.done $0x0  }
0x99: {  	[sflag:s21] =	ssyncadd.s32 $0xFFFFE000  }
0x9a: {  	_ =	swait.ge [sflag:s21], $0x2000  }
0x9b: {  	[sflag:s21] =	ssyncset.done $0x0  }
0x9c: {  	[sflag:s21] =	ssyncadd.s32 $0xFFFFE000  }
0x9d: {  	_ =	swait.ge [sflag:s21], $0x2000  }
0x9e: {  	[sflag:s21] =	ssyncset.done $0x0  }
0x9f: {  	[sflag:s21] =	ssyncadd.s32 $0xFFFFE000  }
0xa0: {  	_ =	swait.ge [sflag:s21], $0x2000  }
0xa1: {  	[sflag:s21] =	ssyncset.done $0x0  }
0xa2: {  	[sflag:s21] =	ssyncadd.s32 $0xFFFFE000  }
0xa3: {  	_ =	swait.ge [sflag:s21], $0x2000  }
0xa4: {  	[sflag:s21] =	ssyncset.done $0x0  }
0xa5: {  	s0 =	simm.s32 $0x5200;
	p0 =	por $0x1, $0x1;
	[sflag:s21] =	ssyncadd.s32 $0xFFFFE000  }
0xa6: {  	s31 =	simm.s32 @!p0 $0x1;
	s29 =	simm.s32 $0x7E00;
	[bflag:$0x0] =	sbarrier.arrive $0xFFFF  }
0xa7: {  	[spmem:s2] =	stream.indirect.scatter.add.f32 [tilespmem:s29], [sflag:$0x1], $0x1, s0, s23, $0xb8;
	[tilespmem:$0x1CA00] =	vst v63  }
0xa8: {  	_ =	swait.ge @!p0 [sflag:s31], $0x80  }
0xa9: {  	s30 =	simm.s32 $0x5280;
	s0 =	simm.s32 $0x1;
	[sflag:s31] =	ssyncset.done @!p0 $0x0  }
.LBB2_13:
0xaa: {  	[sflag:s31] =	ssyncadd.s32 @!p0 $0xFFFFFF80  }
0xab: {  	s29 =	sadd.s32 $0x80, s29;
	s5 =	smov.u32 s0;
	s0 =	sadd.s32 $0x1, s0  }
0xac: {  	p1 =	sne.s32 s0, $0x52  }
0xad: {  	[spmem:s2] =	stream.indirect.scatter.add.f32 [tilespmem:s29], [sflag:$0x1], $0x1, s30, s23, $0xb8;
	[tilespmem:$0x1CA00] =	vst v63  }
.Ltmp5:
0xae: {  	_ = 	snop;
	(pc) =	sbr.rel @p1 .LBB2_13-.Ltmp5, $4  }
0xaf: {  	p0 =	slt.u32 s5, $0x8  }
0xb0: {  	s31 =	simm.s32 @!p0 $0x1  }
0xb1: {  	_ =	swait.ge @!p0 [sflag:s31], $0x80  }
0xb2: {  	s30 =	sadd.s32 $0x80, s30;
	[sflag:s31] =	ssyncset.done @!p0 $0x0  }
0xb3: {  	[sflag:s31] =	ssyncadd.s32 @!p0 $0xFFFFFF80  }
0xb4: {  	_ =	swait.ge [sflag:s21], $0x80  }
0xb5: {  	[sflag:s21] =	ssyncset.done $0x0  }
0xb6: {  	[sflag:s21] =	ssyncadd.s32 $0xFFFFFF80  }
0xb7: {  	_ =	swait.ge [sflag:s21], $0x80  }
0xb8: {  	[sflag:s21] =	ssyncset.done $0x0  }
0xb9: {  	[sflag:s21] =	ssyncadd.s32 $0xFFFFFF80  }
0xba: {  	_ =	swait.ge [sflag:s21], $0x80  }
0xbb: {  	[sflag:s21] =	ssyncset.done $0x0  }
0xbc: {  	[sflag:s21] =	ssyncadd.s32 $0xFFFFFF80  }
0xbd: {  	_ =	swait.ge [sflag:s21], $0x80  }
0xbe: {  	[sflag:s21] =	ssyncset.done $0x0  }
0xbf: {  	[sflag:s21] =	ssyncadd.s32 $0xFFFFFF80  }
0xc0: {  	_ =	swait.ge [sflag:s21], $0x80  }
0xc1: {  	[sflag:s21] =	ssyncset.done $0x0  }
0xc2: {  	[sflag:s21] =	ssyncadd.s32 $0xFFFFFF80  }
0xc3: {  	_ =	swait.ge [sflag:s21], $0x80  }
0xc4: {  	[sflag:s21] =	ssyncset.done $0x0  }
0xc5: {  	[sflag:s21] =	ssyncadd.s32 $0xFFFFFF80  }
0xc6: {  	_ =	swait.ge [sflag:s21], $0x80  }
0xc7: {  	s0 =	simm.s32 $0x0;
	[sflag:s21] =	ssyncset.done $0x0  }
0xc8: {  	s29 =	simm.s32 $0x10;
	s30 =	sadd.s32 $0x1000, s7;
	[sflag:s21] =	ssyncadd.s32 $0xFFFFFF80  }
0xc9: {  	s31 =	sadd.s32 $0x200, s28;
	s0 =	sand.u32 $0x70, s0;
	_ =	swait.ge [sflag:s21], $0x80  }
0xca: {  	s5 =	sand.u32 $0xFFFF000, s28;
	s0 =	sadd.s32 s4, s0;
	[sflag:s21] =	ssyncset.done $0x0  }
0xcb: {  	s6 =	sshll.u32 s1, $0x6;
	s20 =	sadd.s32 s5, s0;
	[sflag:s21] =	ssyncadd.s32 $0xFFFFFF80  }
0xcc: {  	s0 =	sor.u32 $0x1C01, s6;
	s5 =	sshrl.u32 s7, $0x3;
	[bflag:$0x0] =	sbarrier.arrive $0xFFFF  }
.LBB2_15:
0xcd: {  	[hbm:s20@s23], [sflag:s0] =	dma.strided [spmem:s5@s24], $0x200, s21, $0x10   }
0xce: {  	s5 =	smov.u32 s29  }
0xcf: {  	s6 =	smov.u32 s30;
	s20 =	smov.u32 s31;
	p0 =	sne.s32 s29, $0xF0  }
.Ltmp6:
0xd0: {  	s29 =	sadd.s32 $0x10, s29;
	(pc) =	sbr.rel @p0 .LBB2_15-.Ltmp6, $4  }
0xd1: {  	_ = 	snop  }
0xd2: {  	s30 =	sadd.s32 $0x1000, s30;
	s31 =	sadd.s32 $0x200, s31;
	s5 =	sand.u32 $0x70, s5  }
0xd3: {  	s20 =	sand.u32 $0xFFFF000, s20;
	s5 =	sadd.s32 s4, s5  }
0xd4: {  	s20 =	sadd.s32 s20, s5;
	s5 =	sshrl.u32 s6, $0x3  }
0xd5: {  	[hbm:s20@s23], [sflag:s0] =	dma.strided [spmem:s5@s24], $0x200, s21, $0x10   }
0xd6: {  	_ =	swait.ge [sflag:s21], $0x200  }
0xd7: {  	[sflag:s21] =	ssyncset.done $0x0  }
0xd8: {  	[sflag:s21] =	ssyncadd.s32 $0xFFFFFE00  }
0xd9: {  	_ =	swait.ge [sflag:s21], $0x200  }
0xda: {  	[sflag:s21] =	ssyncset.done $0x0  }
0xdb: {  	[sflag:s21] =	ssyncadd.s32 $0xFFFFFE00  }
0xdc: {  	_ =	swait.ge [sflag:s21], $0x200  }
0xdd: {  	[sflag:s21] =	ssyncset.done $0x0  }
0xde: {  	[sflag:s21] =	ssyncadd.s32 $0xFFFFFE00  }
0xdf: {  	_ =	swait.ge [sflag:s21], $0x200  }
0xe0: {  	[sflag:s21] =	ssyncset.done $0x0  }
0xe1: {  	[sflag:s21] =	ssyncadd.s32 $0xFFFFFE00  }
0xe2: {  	_ =	swait.ge [sflag:s21], $0x200  }
0xe3: {  	[sflag:s21] =	ssyncset.done $0x0  }
0xe4: {  	[sflag:s21] =	ssyncadd.s32 $0xFFFFFE00  }
0xe5: {  	_ =	swait.ge [sflag:s21], $0x200  }
0xe6: {  	[sflag:s21] =	ssyncset.done $0x0  }
0xe7: {  	[sflag:s21] =	ssyncadd.s32 $0xFFFFFE00  }
0xe8: {  	_ =	swait.ge [sflag:s21], $0x200  }
0xe9: {  	[sflag:s21] =	ssyncset.done $0x0  }
0xea: {  	[sflag:s21] =	ssyncadd.s32 $0xFFFFFE00  }
0xeb: {  	_ =	swait.ge [sflag:s21], $0x200  }
0xec: {  	[sflag:s21] =	ssyncset.done $0x0  }
0xed: {  	[sflag:s21] =	ssyncadd.s32 $0xFFFFFE00  }
0xee: {  	_ =	swait.ge [sflag:s21], $0x200  }
0xef: {  	[sflag:s21] =	ssyncset.done $0x0  }
0xf0: {  	[sflag:s21] =	ssyncadd.s32 $0xFFFFFE00  }
0xf1: {  	_ =	swait.ge [sflag:s21], $0x200  }
0xf2: {  	[sflag:s21] =	ssyncset.done $0x0  }
0xf3: {  	[sflag:s21] =	ssyncadd.s32 $0xFFFFFE00  }
0xf4: {  	_ =	swait.ge [sflag:s21], $0x200  }
0xf5: {  	[sflag:s21] =	ssyncset.done $0x0  }
0xf6: {  	[sflag:s21] =	ssyncadd.s32 $0xFFFFFE00  }
0xf7: {  	_ =	swait.ge [sflag:s21], $0x200  }
0xf8: {  	[sflag:s21] =	ssyncset.done $0x0  }
0xf9: {  	[sflag:s21] =	ssyncadd.s32 $0xFFFFFE00  }
0xfa: {  	_ =	swait.ge [sflag:s21], $0x200  }
0xfb: {  	[sflag:s21] =	ssyncset.done $0x0  }
0xfc: {  	[sflag:s21] =	ssyncadd.s32 $0xFFFFFE00  }
0xfd: {  	_ =	swait.ge [sflag:s21], $0x200  }
0xfe: {  	[sflag:s21] =	ssyncset.done $0x0  }
0xff: {  	s26 =	sadd.s32 $0x1, s26;
	[sflag:s21] =	ssyncadd.s32 $0xFFFFFE00  }
0x100: {  	p0 =	sne.s32 s26, $0x8;
	_ =	swait.ge [sflag:s21], $0x200  }
.Ltmp7:
0x101: {  	[sflag:s21] =	ssyncset.done $0x0;
	(pc) =	sbr.rel @p0 .LBB2_10-.Ltmp7, $4  }
0x102: {  	[sflag:s21] =	ssyncadd.s32 $0xFFFFFE00  }
0x103: {  	_ =	swait.ge [sflag:s21], $0x200  }
0x104: {  	[sflag:s21] =	ssyncset.done $0x0  }
0x105: {  	s28 =	sadd.s32 $0x20000, s28;
	[sflag:s21] =	ssyncadd.s32 $0xFFFFFE00  }
0x106: {  	s25 =	sadd.s32 $0x1, s25  }
0x107: {  	p0 =	sne.s32 s25, s16  }
.Ltmp8:
0x108: {  	_ = 	snop;
	(pc) =	sbr.rel @p0 .LBB2_1-.Ltmp8, $1  }
0x109: {  	_ =	sdelay $0x3  }
0x10a: {  	_ =	sfence.sel $0x180000  }
0x10b: {  	[bflag:$0x0] =	sbarrier.arrive $0xFFFF  }
0x10c: {  	_ =	strace $0x90000047  }
0x10d: {  	[bflag:$0x2] =	sbarrier.arrive $0xFFFF  }
0x10e: {  	p0 =	sne.s32 s1, $0x0;
	s0 =	rddreg [dreg:$0x3]  }
0x10f: {  	s0 =	sadd.s32 @!p0 $0x100000, s0  }
0x110: {  	[sflag:s0] =	ssyncadd.tile.s32 @!p0 $0x1;
	_ =	shalt  }
.Lfunc_end2:
_tile_overlayer_lowered:
.L_overlay_start_2:
0x111: {  	(tag) =	ssettag $0x2  }
0x112: {  	s0 =	rddreg [dreg:$0x0];
	s2 =	stileid.u32  }
0x113: {  	s1 =	rddreg [dreg:$0x1];
	p0 =	sne.s32 s2, $0x0  }
0x114: {  	s3 =	rddreg [dreg:$0x2];
	[bflag:$0x3] =	sbarrier.arrive $0xFFFF;
	s2 =	simm.s32 @!p0 $0x1C02  }
0x115: {  	[timem:s3], [sflag:s2] =	dma.local @!p0 [hbm:s0], s1  }
0x116: {  	s0 =	simm.s32 @!p0 $0x2  }
0x117: {  	_ =	swait.ge @!p0 [sflag:s0], s1  }
0x118: {  	s1 =	ssub.s32 @!p0 $0x0, s1;
	[sflag:s0] =	ssyncset.done @!p0 $0x0  }
0x119: {  	[sflag:s0] =	ssyncadd.s32 @!p0 s1  }
0x11a: {  	[bflag:$0x3] =	sbarrier.arrive $0xFFFF  }
0x11b: {  	_ =	shalt  }

</sc_bundles>
